<compile_context>
chip_gen: v7x
topology: tpu7x:2x2x1
jax: 0.10.2.dev20260603
libtpu: 0.0.44.dev20260713+nightly
codegen_flags: <defaults>
</compile_context>

<pallas_src>
import functools

import jax
import jax.numpy as jnp
from jax import lax
from jax.experimental import pallas as pl
from jax.experimental.pallas import tpu as pltpu
from jax.experimental.pallas import tpu_sc as plsc

N = 1_000_000
C_SIZE = 64
KEY_SIZE = 32
B = 64
TOPK = 64
VALUE_SIZE = 1 + 1 + C_SIZE
QKV_SIZE = 2 * KEY_SIZE + VALUE_SIZE

BN = 4000
NB = N // BN



def _topk_body(c_ref, mem_ref, vals_ref, idx_ref):
    t = pl.program_id(0)

    @pl.when(t == 0)
    def _init():
        vals_ref[...] = jnp.full((B, TOPK), -jnp.inf, jnp.float32)
        idx_ref[...] = jnp.zeros((B, TOPK), jnp.int32)

    s = lax.dot_general(
        c_ref[...], mem_ref[...], (((1,), (1,)), ((), ())),
        preferred_element_type=jnp.float32,
    )
    col = lax.broadcasted_iota(jnp.int32, (B, BN), 1)
    kiota = lax.broadcasted_iota(jnp.int32, (B, TOPK), 1)
    m0 = jnp.max(s, axis=1, keepdims=True)

    def cond(carry):
        _, m_, rv_, _ = carry
        return jnp.any(m_ > jnp.min(rv_, axis=1, keepdims=True))

    def body(carry):
        s_, m_, rv_, ri_ = carry
        a = jnp.argmax(s_, axis=1).reshape(B, 1)
        rmin = jnp.min(rv_, axis=1, keepdims=True)
        p = jnp.argmin(rv_, axis=1).reshape(B, 1)
        sel = (kiota == p) & (m_ > rmin)
        rv_ = jnp.where(sel, m_, rv_)
        ri_ = jnp.where(sel, t * BN + a, ri_)
        s_ = jnp.where(col == a, -jnp.inf, s_)
        m_ = jnp.max(s_, axis=1, keepdims=True)
        return s_, m_, rv_, ri_

    _, _, rv, ri = lax.while_loop(
        cond, body, (s, m0, vals_ref[...], idx_ref[...]))
    vals_ref[...] = rv
    idx_ref[...] = ri


def _run_topk(c, mem_c):
    return pl.pallas_call(
        _topk_body,
        grid=(NB,),
        in_specs=[
            pl.BlockSpec((B, C_SIZE), lambda t: (0, 0)),
            pl.BlockSpec((BN, C_SIZE), lambda t: (t, 0)),
        ],
        out_specs=[
            pl.BlockSpec((B, TOPK), lambda t: (0, 0)),
            pl.BlockSpec((B, TOPK), lambda t: (0, 0)),
        ],
        out_shape=[
            jax.ShapeDtypeStruct((B, TOPK), jnp.float32),
            jax.ShapeDtypeStruct((B, TOPK), jnp.int32),
        ],
    )(c, mem_c)



_NC = 2
_NS = 16
_NW = _NC * _NS
_ROWS = B * TOPK
_RPW = _ROWS // _NW


_TW = 16
_L = 16


def _gather_body(mem_x_hbm, mem_t16_hbm, idx_hbm, x_out, t_out,
                 idx_v, rows_v, xrows_v, trows_v, tsel_v, sem):
    wid = lax.axis_index("s") * _NC + lax.axis_index("c")
    base = wid * _RPW
    pltpu.sync_copy(idx_hbm.at[pl.ds(base, _RPW)], idx_v)
    for j in range(_RPW // _L):
        rows_v[pl.ds(j * _L, _L)] = lax.shift_right_logical(
            idx_v[pl.ds(j * _L, _L)], 4)
    pltpu.async_copy(mem_x_hbm.at[idx_v], xrows_v, sem).wait()
    pltpu.async_copy(mem_t16_hbm.at[rows_v], trows_v, sem).wait()
    for j in range(_RPW // _L):
        lanes = jnp.bitwise_and(idx_v[pl.ds(j * _L, _L)], _TW - 1)
        rids = jax.lax.iota(jnp.int32, _L) + j * _L
        tsel_v[pl.ds(j * _L, _L)] = plsc.load_gather(trows_v, [rids, lanes])
    pltpu.sync_copy(xrows_v, x_out.at[pl.ds(base, _RPW)])
    pltpu.sync_copy(tsel_v, t_out.at[pl.ds(base, _RPW)])


def _run_gather(idx_flat, mem_x, mem_t16):
    mesh = plsc.VectorSubcoreMesh(core_axis_name="c", subcore_axis_name="s")
    f = functools.partial(
        pl.kernel,
        mesh=mesh,
        out_type=[
            jax.ShapeDtypeStruct((_ROWS, C_SIZE), jnp.float32),
            jax.ShapeDtypeStruct((_ROWS,), jnp.float32),
        ],
        scratch_types=[
            pltpu.VMEM((_RPW,), jnp.int32),
            pltpu.VMEM((_RPW,), jnp.int32),
            pltpu.VMEM((_RPW, C_SIZE), jnp.float32),
            pltpu.VMEM((_RPW, _TW), jnp.float32),
            pltpu.VMEM((_RPW,), jnp.float32),
            pltpu.SemaphoreType.DMA,
        ],
        compiler_params=pltpu.CompilerParams(
            use_tc_tiling_on_sc=False, needs_layout_passes=False),
    )(_gather_body)
    return f(mem_x, mem_t16, idx_flat)



def _ln(x, g, b, eps=1e-5):
    mu = jnp.mean(x, axis=-1, keepdims=True)
    xc = x - mu
    var = jnp.mean(xc * xc, axis=-1, keepdims=True)
    return xc / jnp.sqrt(var + eps) * g + b


def _head_body(vals_ref, t_ref, x_ref, wqkv_ref, bqkv_ref, gq_ref, bq_ref,
               gm_ref, bm_ref, w1_ref, b1_ref, w2_ref, b2_ref, p1_ref,
               pb1_ref, p2_ref, pb2_ref, out_ref, qkv_sr, att_sr):
    md = jnp.concatenate([vals_ref[...], t_ref[...], x_ref[...]], axis=1)

    qkv = jnp.dot(md, wqkv_ref[...],
                  preferred_element_type=jnp.float32) + bqkv_ref[...]
    qkv = _ln(qkv, gq_ref[...], bq_ref[...])
    qkv_sr[...] = qkv

    scale = KEY_SIZE ** -0.5

    def attend(b, _):
        blk = qkv_sr[pl.ds(b * TOPK, TOPK), :]
        q = blk[:, :KEY_SIZE] * scale
        kk = blk[:, KEY_SIZE:2 * KEY_SIZE]
        v = blk[:, 2 * KEY_SIZE:]
        w = jnp.dot(q, kk.T, preferred_element_type=jnp.float32)
        w = w - jnp.max(w, axis=1, keepdims=True)
        w = jnp.exp(w)
        w = w / jnp.sum(w, axis=1, keepdims=True)
        att_sr[pl.ds(b * TOPK, TOPK), :] = jnp.dot(
            w, v, preferred_element_type=jnp.float32)
        return 0

    lax.fori_loop(0, B, attend, 0)

    gm = gm_ref[...]
    bm = bm_ref[...]
    mem = _ln(md + att_sr[...], gm, bm)
    h = jnp.dot(jnp.maximum(jnp.dot(mem, w1_ref[...],
                                    preferred_element_type=jnp.float32)
                            + b1_ref[...], 0.0),
                w2_ref[...], preferred_element_type=jnp.float32) + b2_ref[...]
    mem = _ln(h + mem, gm, bm)

    rows = lax.broadcasted_iota(jnp.int32, (B, _ROWS), 1)
    qsel = lax.broadcasted_iota(jnp.int32, (B, _ROWS), 0)
    pool = jnp.where(rows // TOPK == qsel, 1.0 / TOPK, 0.0)
    pooled = jnp.dot(pool, mem, preferred_element_type=jnp.float32)

    c_prime = jnp.dot(
        jnp.maximum(jnp.dot(pooled, p1_ref[...],
                            preferred_element_type=jnp.float32)
                    + pb1_ref[...], 0.0),
        p2_ref[...], preferred_element_type=jnp.float32) + pb2_ref[...]
    out_ref[...] = c_prime


def _run_head(vals, tvals, x_rows, W_qkv, b_qkv, ln_qkv_g, ln_qkv_b,
              ln_mem_g, ln_mem_b, W_mlp1, b_mlp1, W_mlp2, b_mlp2,
              W_proj1, b_proj1, W_proj2, b_proj2):
    args = (vals, tvals, x_rows, W_qkv, b_qkv.reshape(1, -1),
            ln_qkv_g.reshape(1, -1), ln_qkv_b.reshape(1, -1),
            ln_mem_g.reshape(1, -1), ln_mem_b.reshape(1, -1),
            W_mlp1, b_mlp1.reshape(1, -1), W_mlp2, b_mlp2.reshape(1, -1),
            W_proj1, b_proj1.reshape(1, -1), W_proj2, b_proj2.reshape(1, -1))
    return pl.pallas_call(
        _head_body,
        out_shape=jax.ShapeDtypeStruct((B, C_SIZE), jnp.float32),
        scratch_shapes=[
            pltpu.VMEM((_ROWS, QKV_SIZE), jnp.float32),
            pltpu.VMEM((_ROWS, VALUE_SIZE), jnp.float32),
        ],
    )(*args)



def kernel(c, k, mem_c, mem_t, mem_x, W_qkv, b_qkv, ln_qkv_g, ln_qkv_b,
           ln_mem_g, ln_mem_b, W_mlp1, b_mlp1, W_mlp2, b_mlp2,
           W_proj1, b_proj1, W_proj2, b_proj2):
    vals, idx = _run_topk(c, mem_c)
    x_rows, t_flat = _run_gather(idx.reshape(_ROWS), mem_x,
                                 mem_t.reshape(N // _TW, _TW))
    vals = vals.reshape(_ROWS, 1)
    tvals = t_flat.reshape(_ROWS, 1)
    return _run_head(vals, tvals, x_rows, W_qkv, b_qkv, ln_qkv_g, ln_qkv_b,
                     ln_mem_g, ln_mem_b, W_mlp1, b_mlp1, W_mlp2, b_mlp2,
                     W_proj1, b_proj1, W_proj2, b_proj2)

# --- scband reference (transcript-rebuilt; emitter-appended) ---
"""Pipeline reference for scband-memory-57629871178311 (READ-ONLY COPY).

The authoritative reference and input builder live on the scoring server;
editing this copy changes nothing except your own understanding.
"""

import jax, jax.numpy as jnp
import numpy as np

N = 1000000
C_SIZE = 64
KEY_SIZE = 32
NUM_HEADS = 1
B = 64
TOPK = 64
VALUE_SIZE = 1 + 1 + C_SIZE  # [deltas, t, x] metadata columns
QKV_SIZE = 2 * KEY_SIZE + VALUE_SIZE
TOTAL_SIZE = QKV_SIZE * NUM_HEADS


def _layer_norm(x, g, b, eps=1e-5):
    mu = jnp.mean(x, axis=-1, keepdims=True)
    var = jnp.var(x, axis=-1, keepdims=True)
    return (x - mu) / jnp.sqrt(var + eps) * g + b


def setup_inputs(seed: int = 0) -> dict:
    key = jax.random.key(seed)
    ks = jax.random.split(key, 16)
    s = 0.05
    inp = {}
    inp["c"] = jax.random.normal(ks[0], (B, C_SIZE), dtype=jnp.float32)
    inp["k"] = TOPK
    # pre-populated memory buffers (module state after N add() calls, n == N)
    inp["mem_c"] = jax.random.normal(ks[1], (N, C_SIZE), dtype=jnp.float32)
    inp["mem_t"] = jax.random.uniform(ks[2], (N, 1), dtype=jnp.float32)
    inp["mem_x"] = jax.random.normal(ks[3], (N, C_SIZE), dtype=jnp.float32)
    # learned params (lazily built by set_qkv_encoder in torch)
    inp["W_qkv"] = jax.random.normal(ks[4], (VALUE_SIZE, TOTAL_SIZE), dtype=jnp.float32) * s
    inp["b_qkv"] = jnp.zeros((TOTAL_SIZE,), dtype=jnp.float32)
    inp["ln_qkv_g"] = jnp.ones((TOTAL_SIZE,), dtype=jnp.float32)
    inp["ln_qkv_b"] = jnp.zeros((TOTAL_SIZE,), dtype=jnp.float32)
    inp["ln_mem_g"] = jnp.ones((VALUE_SIZE,), dtype=jnp.float32)
    inp["ln_mem_b"] = jnp.zeros((VALUE_SIZE,), dtype=jnp.float32)
    inp["W_mlp1"] = jax.random.normal(ks[5], (VALUE_SIZE, VALUE_SIZE), dtype=jnp.float32) * s
    inp["b_mlp1"] = jnp.zeros((VALUE_SIZE,), dtype=jnp.float32)
    inp["W_mlp2"] = jax.random.normal(ks[6], (VALUE_SIZE, VALUE_SIZE), dtype=jnp.float32) * s
    inp["b_mlp2"] = jnp.zeros((VALUE_SIZE,), dtype=jnp.float32)
    inp["W_proj1"] = jax.random.normal(ks[7], (VALUE_SIZE, VALUE_SIZE), dtype=jnp.float32) * s
    inp["b_proj1"] = jnp.zeros((VALUE_SIZE,), dtype=jnp.float32)
    inp["W_proj2"] = jax.random.normal(ks[8], (VALUE_SIZE, C_SIZE), dtype=jnp.float32) * s
    inp["b_proj2"] = jnp.zeros((C_SIZE,), dtype=jnp.float32)
    return inp


def reference(c, k, mem_c, mem_t, mem_x, W_qkv, b_qkv, ln_qkv_g, ln_qkv_b, ln_mem_g, ln_mem_b, W_mlp1, b_mlp1, W_mlp2, b_mlp2, W_proj1, b_proj1, W_proj2, b_proj2):
    # _query: delta = dot-product similarity, detach_deltas=True, weigh_q=False, action=None
    deltas = jnp.dot(c, mem_c.T)  # [B, N]
    deltas = jax.lax.stop_gradient(deltas)
    deltas = deltas + jnp.zeros((), dtype=deltas.dtype) * k
    deltas, indices = jax.lax.top_k(deltas, TOPK)  # [B, k]
    metadata = jnp.concatenate([
        deltas[..., None],
        jnp.take(mem_t, indices, axis=0),
        jnp.take(mem_x, indices, axis=0),
    ], axis=2)  # [B, k, VALUE_SIZE]
    # _mhdpa
    qkv = jnp.dot(metadata, W_qkv) + b_qkv
    qkv = _layer_norm(qkv, ln_qkv_g, ln_qkv_b)
    bsz, slots = metadata.shape[0], metadata.shape[1]
    qkv = qkv.reshape(bsz, slots, NUM_HEADS, QKV_SIZE).transpose(0, 2, 1, 3)
    q = qkv[..., :KEY_SIZE] * (KEY_SIZE ** -0.5)
    kk = qkv[..., KEY_SIZE:2 * KEY_SIZE]
    v = qkv[..., 2 * KEY_SIZE:]
    w = jax.nn.softmax(jnp.matmul(q, kk.transpose(0, 1, 3, 2)), axis=-1)
    attended = jnp.matmul(w, v).transpose(0, 2, 1, 3).reshape(bsz, slots, NUM_HEADS * VALUE_SIZE)
    # _attend_over_memory with project_mlp=True
    mem = _layer_norm(metadata + attended, ln_mem_g, ln_mem_b)
    h = jnp.dot(jax.nn.relu(jnp.dot(mem, W_mlp1) + b_mlp1), W_mlp2) + b_mlp2
    mem = _layer_norm(h + mem, ln_mem_g, ln_mem_b)
    mem = jnp.mean(mem, axis=1)
    c_prime = jnp.dot(jax.nn.relu(jnp.dot(mem, W_proj1) + b_proj1), W_proj2) + b_proj2
    return c_prime

if __name__ == "__main__":
    import jax
    _d = setup_inputs()
    print(jax.jit(kernel)(*tuple(_d.values())))

</pallas_src>

<mosaic_0001>
#map = affine_map<(d0, d1) -> (0, 0)>
#map1 = affine_map<(d0, d1) -> (0)>
module attributes {stable_mosaic.version = 14 : i64} {
  func.func @_gather_body(%arg0: i32, %arg1: i32, %arg2: memref<1000000x64xf32, #tpu.memory_space<hbm>>, %arg3: memref<62500x16xf32, #tpu.memory_space<hbm>>, %arg4: memref<4096xi32, #tpu.memory_space<hbm>>, %arg5: memref<4096x64xf32, #tpu.memory_space<hbm>>, %arg6: memref<4096xf32, #tpu.memory_space<hbm>>, %arg7: memref<128xi32, #tpu.memory_space<vmem>>, %arg8: memref<128xi32, #tpu.memory_space<vmem>>, %arg9: memref<128x64xf32, #tpu.memory_space<vmem>>, %arg10: memref<128x16xf32, #tpu.memory_space<vmem>>, %arg11: memref<128xf32, #tpu.memory_space<vmem>>, %arg12: memref<!tpu.dma_semaphore, #tpu.memory_space<semaphore_mem>>) attributes {dimension_semantics = [#tpu.dimension_semantics<core_parallel>, #tpu.dimension_semantics<subcore_parallel>], iteration_bounds = array<i64: 2, 16>, scalar_prefetch = 0 : i64, scratch_operands = 6 : i64, tpu.core_type = #tpu.core_type<sc_vector_subcore>, window_params = [{transform_indices = #map}, {transform_indices = #map}, {transform_indices = #map1}, {transform_indices = #map}, {transform_indices = #map1}]} {
    %mul3A = arith.constant 2 : i32
    %mul3A_0 = arith.muli %arg1, %mul3A : i32
    %add3A = arith.addi %mul3A_0, %arg0 : i32
    %mul3A_1 = arith.constant 128 : i32
    %mul3A_2 = arith.muli %add3A, %mul3A_1 : i32
    "tpu.region"() ({
      %run_scoped3A = tpu.sem_alloc : memref<!tpu.dma_semaphore, #tpu.memory_space<semaphore_mem>>
      %dma_start3A_159 = tpu.memref_slice %arg4[%mul3A_2] : memref<4096xi32, #tpu.memory_space<hbm>> -> memref<128xi32, #tpu.memory_space<hbm>>
      %dma_start3A_160 = tpu.memref_slice %arg4[%mul3A_2] : memref<4096xi32, #tpu.memory_space<hbm>> -> memref<128xi32, #tpu.memory_space<hbm>>
      tpu.enqueue_dma source(%dma_start3A_160 : memref<128xi32, #tpu.memory_space<hbm>>) target(%arg7 : memref<128xi32, #tpu.memory_space<vmem>>) target_semaphore(%run_scoped3A : memref<!tpu.dma_semaphore, #tpu.memory_space<semaphore_mem>>)
      %dma_wait3A_161 = tpu.memref_slice %arg4[%mul3A_2] : memref<4096xi32, #tpu.memory_space<hbm>> -> memref<128xi32, #tpu.memory_space<hbm>>
      %dma_wait3A_162 = tpu.memref_slice %arg4[%mul3A_2] : memref<4096xi32, #tpu.memory_space<hbm>> -> memref<128xi32, #tpu.memory_space<hbm>>
      tpu.wait_dma2 semaphore(%run_scoped3A : memref<!tpu.dma_semaphore, #tpu.memory_space<semaphore_mem>>) src(%dma_wait3A_162 : memref<128xi32, #tpu.memory_space<hbm>>) dst(%arg7 : memref<128xi32, #tpu.memory_space<vmem>>)
      tpu.yield
    }) : () -> ()
    %get3A = arith.constant 0 : index
    %get3A_3 = tpu.vector_load %arg7[%get3A] {strides = array<i32>} : memref<128xi32, #tpu.memory_space<vmem>>, vector<16xi32>,
    %shift_right_logical3A = arith.constant 4 : i32
    %shift_right_logical3A_4 = vector.broadcast %shift_right_logical3A : i32 to vector<16xi32>
    %shift_right_logical3A_5 = arith.shrui %get3A_3, %shift_right_logical3A_4 : vector<16xi32>
    %swap3A = arith.constant 0 : index
    %swap3A_6 = tpu.vector_load %arg8[%swap3A] {strides = array<i32>} : memref<128xi32, #tpu.memory_space<vmem>>, vector<16xi32>,
    tpu.vector_store %arg8[%swap3A], %shift_right_logical3A_5 {strides = array<i32>} : memref<128xi32, #tpu.memory_space<vmem>>, vector<16xi32>,
    %get3A_7 = arith.constant 16 : index
    %get3A_8 = tpu.vector_load %arg7[%get3A_7] {strides = array<i32>} : memref<128xi32, #tpu.memory_space<vmem>>, vector<16xi32>,
    %shift_right_logical3A_9 = arith.constant 4 : i32
    %shift_right_logical3A_10 = vector.broadcast %shift_right_logical3A_9 : i32 to vector<16xi32>
    %shift_right_logical3A_11 = arith.shrui %get3A_8, %shift_right_logical3A_10 : vector<16xi32>
    %swap3A_12 = arith.constant 16 : index
    %swap3A_13 = tpu.vector_load %arg8[%swap3A_12] {strides = array<i32>} : memref<128xi32, #tpu.memory_space<vmem>>, vector<16xi32>,
    tpu.vector_store %arg8[%swap3A_12], %shift_right_logical3A_11 {strides = array<i32>} : memref<128xi32, #tpu.memory_space<vmem>>, vector<16xi32>,
    %get3A_14 = arith.constant 32 : index
    %get3A_15 = tpu.vector_load %arg7[%get3A_14] {strides = array<i32>} : memref<128xi32, #tpu.memory_space<vmem>>, vector<16xi32>,
    %shift_right_logical3A_16 = arith.constant 4 : i32
    %shift_right_logical3A_17 = vector.broadcast %shift_right_logical3A_16 : i32 to vector<16xi32>
    %shift_right_logical3A_18 = arith.shrui %get3A_15, %shift_right_logical3A_17 : vector<16xi32>
    %swap3A_19 = arith.constant 32 : index
    %swap3A_20 = tpu.vector_load %arg8[%swap3A_19] {strides = array<i32>} : memref<128xi32, #tpu.memory_space<vmem>>, vector<16xi32>,
    tpu.vector_store %arg8[%swap3A_19], %shift_right_logical3A_18 {strides = array<i32>} : memref<128xi32, #tpu.memory_space<vmem>>, vector<16xi32>,
    %get3A_21 = arith.constant 48 : index
    %get3A_22 = tpu.vector_load %arg7[%get3A_21] {strides = array<i32>} : memref<128xi32, #tpu.memory_space<vmem>>, vector<16xi32>,
    %shift_right_logical3A_23 = arith.constant 4 : i32
    %shift_right_logical3A_24 = vector.broadcast %shift_right_logical3A_23 : i32 to vector<16xi32>
    %shift_right_logical3A_25 = arith.shrui %get3A_22, %shift_right_logical3A_24 : vector<16xi32>
    %swap3A_26 = arith.constant 48 : index
    %swap3A_27 = tpu.vector_load %arg8[%swap3A_26] {strides = array<i32>} : memref<128xi32, #tpu.memory_space<vmem>>, vector<16xi32>,
    tpu.vector_store %arg8[%swap3A_26], %shift_right_logical3A_25 {strides = array<i32>} : memref<128xi32, #tpu.memory_space<vmem>>, vector<16xi32>,
    %get3A_28 = arith.constant 64 : index
    %get3A_29 = tpu.vector_load %arg7[%get3A_28] {strides = array<i32>} : memref<128xi32, #tpu.memory_space<vmem>>, vector<16xi32>,
    %shift_right_logical3A_30 = arith.constant 4 : i32
    %shift_right_logical3A_31 = vector.broadcast %shift_right_logical3A_30 : i32 to vector<16xi32>
    %shift_right_logical3A_32 = arith.shrui %get3A_29, %shift_right_logical3A_31 : vector<16xi32>
    %swap3A_33 = arith.constant 64 : index
    %swap3A_34 = tpu.vector_load %arg8[%swap3A_33] {strides = array<i32>} : memref<128xi32, #tpu.memory_space<vmem>>, vector<16xi32>,
    tpu.vector_store %arg8[%swap3A_33], %shift_right_logical3A_32 {strides = array<i32>} : memref<128xi32, #tpu.memory_space<vmem>>, vector<16xi32>,
    %get3A_35 = arith.constant 80 : index
    %get3A_36 = tpu.vector_load %arg7[%get3A_35] {strides = array<i32>} : memref<128xi32, #tpu.memory_space<vmem>>, vector<16xi32>,
    %shift_right_logical3A_37 = arith.constant 4 : i32
    %shift_right_logical3A_38 = vector.broadcast %shift_right_logical3A_37 : i32 to vector<16xi32>
    %shift_right_logical3A_39 = arith.shrui %get3A_36, %shift_right_logical3A_38 : vector<16xi32>
    %swap3A_40 = arith.constant 80 : index
    %swap3A_41 = tpu.vector_load %arg8[%swap3A_40] {strides = array<i32>} : memref<128xi32, #tpu.memory_space<vmem>>, vector<16xi32>,
    tpu.vector_store %arg8[%swap3A_40], %shift_right_logical3A_39 {strides = array<i32>} : memref<128xi32, #tpu.memory_space<vmem>>, vector<16xi32>,
    %get3A_42 = arith.constant 96 : index
    %get3A_43 = tpu.vector_load %arg7[%get3A_42] {strides = array<i32>} : memref<128xi32, #tpu.memory_space<vmem>>, vector<16xi32>,
    %shift_right_logical3A_44 = arith.constant 4 : i32
    %shift_right_logical3A_45 = vector.broadcast %shift_right_logical3A_44 : i32 to vector<16xi32>
    %shift_right_logical3A_46 = arith.shrui %get3A_43, %shift_right_logical3A_45 : vector<16xi32>
    %swap3A_47 = arith.constant 96 : index
    %swap3A_48 = tpu.vector_load %arg8[%swap3A_47] {strides = array<i32>} : memref<128xi32, #tpu.memory_space<vmem>>, vector<16xi32>,
    tpu.vector_store %arg8[%swap3A_47], %shift_right_logical3A_46 {strides = array<i32>} : memref<128xi32, #tpu.memory_space<vmem>>, vector<16xi32>,
    %get3A_49 = arith.constant 112 : index
    %get3A_50 = tpu.vector_load %arg7[%get3A_49] {strides = array<i32>} : memref<128xi32, #tpu.memory_space<vmem>>, vector<16xi32>,
    %shift_right_logical3A_51 = arith.constant 4 : i32
    %shift_right_logical3A_52 = vector.broadcast %shift_right_logical3A_51 : i32 to vector<16xi32>
    %shift_right_logical3A_53 = arith.shrui %get3A_50, %shift_right_logical3A_52 : vector<16xi32>
    %swap3A_54 = arith.constant 112 : index
    %swap3A_55 = tpu.vector_load %arg8[%swap3A_54] {strides = array<i32>} : memref<128xi32, #tpu.memory_space<vmem>>, vector<16xi32>,
    tpu.vector_store %arg8[%swap3A_54], %shift_right_logical3A_53 {strides = array<i32>} : memref<128xi32, #tpu.memory_space<vmem>>, vector<16xi32>,
    %dma_start3A = arith.constant 0 : i32
    %dma_start3A_56 = arith.constant 0 : i32
    %dma_start3A_57 = tpu.memref_slice %arg2[%dma_start3A, %dma_start3A_56] : memref<1000000x64xf32, #tpu.memory_space<hbm>> -> memref<1000000x64xf32, #tpu.memory_space<hbm>>
    tpu.enqueue_indirect_dma source(%dma_start3A_57 : memref<1000000x64xf32, #tpu.memory_space<hbm>>) target(%arg9 : memref<128x64xf32, #tpu.memory_space<vmem>>) offsets(%arg7 : memref<128xi32, #tpu.memory_space<vmem>>) semaphore(%arg12 : memref<!tpu.dma_semaphore, #tpu.memory_space<semaphore_mem>>)
    %dma_wait3A = arith.constant 0 : i32
    %dma_wait3A_58 = arith.constant 0 : i32
    %dma_wait3A_59 = tpu.memref_slice %arg2[%dma_wait3A, %dma_wait3A_58] : memref<1000000x64xf32, #tpu.memory_space<hbm>> -> memref<1000000x64xf32, #tpu.memory_space<hbm>>
    tpu.wait_indirect_dma semaphore(%arg12 : memref<!tpu.dma_semaphore, #tpu.memory_space<semaphore_mem>>) src(%dma_wait3A_59 : memref<1000000x64xf32, #tpu.memory_space<hbm>>) dst(%arg9 : memref<128x64xf32, #tpu.memory_space<vmem>>)
    %dma_start3A_60 = arith.constant 0 : i32
    %dma_start3A_61 = arith.constant 0 : i32
    %dma_start3A_62 = tpu.memref_slice %arg3[%dma_start3A_60, %dma_start3A_61] : memref<62500x16xf32, #tpu.memory_space<hbm>> -> memref<62500x16xf32, #tpu.memory_space<hbm>>
    tpu.enqueue_indirect_dma source(%dma_start3A_62 : memref<62500x16xf32, #tpu.memory_space<hbm>>) target(%arg10 : memref<128x16xf32, #tpu.memory_space<vmem>>) offsets(%arg8 : memref<128xi32, #tpu.memory_space<vmem>>) semaphore(%arg12 : memref<!tpu.dma_semaphore, #tpu.memory_space<semaphore_mem>>)
    %dma_wait3A_63 = arith.constant 0 : i32
    %dma_wait3A_64 = arith.constant 0 : i32
    %dma_wait3A_65 = tpu.memref_slice %arg3[%dma_wait3A_63, %dma_wait3A_64] : memref<62500x16xf32, #tpu.memory_space<hbm>> -> memref<62500x16xf32, #tpu.memory_space<hbm>>
    tpu.wait_indirect_dma semaphore(%arg12 : memref<!tpu.dma_semaphore, #tpu.memory_space<semaphore_mem>>) src(%dma_wait3A_65 : memref<62500x16xf32, #tpu.memory_space<hbm>>) dst(%arg10 : memref<128x16xf32, #tpu.memory_space<vmem>>)
    %get3A_66 = arith.constant 0 : index
    %get3A_67 = tpu.vector_load %arg7[%get3A_66] {strides = array<i32>} : memref<128xi32, #tpu.memory_space<vmem>>, vector<16xi32>,
    %and3A = arith.constant 15 : i32
    %and3A_68 = vector.broadcast %and3A : i32 to vector<16xi32>
    %and3A_69 = arith.andi %get3A_67, %and3A_68 : vector<16xi32>
    %iota3A = tpu.iota {dimensions = array<i32: 0>} : vector<16xi32>
    %add3A_70 = arith.constant 0 : i32
    %add3A_71 = vector.broadcast %add3A_70 : i32 to vector<16xi32>
    %add3A_72 = arith.addi %iota3A, %add3A_71 : vector<16xi32>
    %gather3A = tpu.vector_load_idx %arg10[%add3A_72, %and3A_69] : memref<128x16xf32, #tpu.memory_space<vmem>>[vector<16xi32>, vector<16xi32>], vector<16xf32>,
    %swap3A_73 = arith.constant 0 : index
    %swap3A_74 = tpu.vector_load %arg11[%swap3A_73] {strides = array<i32>} : memref<128xf32, #tpu.memory_space<vmem>>, vector<16xf32>,
    tpu.vector_store %arg11[%swap3A_73], %gather3A {strides = array<i32>} : memref<128xf32, #tpu.memory_space<vmem>>, vector<16xf32>,
    %get3A_75 = arith.constant 16 : index
    %get3A_76 = tpu.vector_load %arg7[%get3A_75] {strides = array<i32>} : memref<128xi32, #tpu.memory_space<vmem>>, vector<16xi32>,
    %and3A_77 = arith.constant 15 : i32
    %and3A_78 = vector.broadcast %and3A_77 : i32 to vector<16xi32>
    %and3A_79 = arith.andi %get3A_76, %and3A_78 : vector<16xi32>
    %iota3A_80 = tpu.iota {dimensions = array<i32: 0>} : vector<16xi32>
    %add3A_81 = arith.constant 16 : i32
    %add3A_82 = vector.broadcast %add3A_81 : i32 to vector<16xi32>
    %add3A_83 = arith.addi %iota3A_80, %add3A_82 : vector<16xi32>
    %gather3A_84 = tpu.vector_load_idx %arg10[%add3A_83, %and3A_79] : memref<128x16xf32, #tpu.memory_space<vmem>>[vector<16xi32>, vector<16xi32>], vector<16xf32>,
    %swap3A_85 = arith.constant 16 : index
    %swap3A_86 = tpu.vector_load %arg11[%swap3A_85] {strides = array<i32>} : memref<128xf32, #tpu.memory_space<vmem>>, vector<16xf32>,
    tpu.vector_store %arg11[%swap3A_85], %gather3A_84 {strides = array<i32>} : memref<128xf32, #tpu.memory_space<vmem>>, vector<16xf32>,
    %get3A_87 = arith.constant 32 : index
    %get3A_88 = tpu.vector_load %arg7[%get3A_87] {strides = array<i32>} : memref<128xi32, #tpu.memory_space<vmem>>, vector<16xi32>,
    %and3A_89 = arith.constant 15 : i32
    %and3A_90 = vector.broadcast %and3A_89 : i32 to vector<16xi32>
    %and3A_91 = arith.andi %get3A_88, %and3A_90 : vector<16xi32>
    %iota3A_92 = tpu.iota {dimensions = array<i32: 0>} : vector<16xi32>
    %add3A_93 = arith.constant 32 : i32
    %add3A_94 = vector.broadcast %add3A_93 : i32 to vector<16xi32>
    %add3A_95 = arith.addi %iota3A_92, %add3A_94 : vector<16xi32>
    %gather3A_96 = tpu.vector_load_idx %arg10[%add3A_95, %and3A_91] : memref<128x16xf32, #tpu.memory_space<vmem>>[vector<16xi32>, vector<16xi32>], vector<16xf32>,
    %swap3A_97 = arith.constant 32 : index
    %swap3A_98 = tpu.vector_load %arg11[%swap3A_97] {strides = array<i32>} : memref<128xf32, #tpu.memory_space<vmem>>, vector<16xf32>,
    tpu.vector_store %arg11[%swap3A_97], %gather3A_96 {strides = array<i32>} : memref<128xf32, #tpu.memory_space<vmem>>, vector<16xf32>,
    %get3A_99 = arith.constant 48 : index
    %get3A_100 = tpu.vector_load %arg7[%get3A_99] {strides = array<i32>} : memref<128xi32, #tpu.memory_space<vmem>>, vector<16xi32>,
    %and3A_101 = arith.constant 15 : i32
    %and3A_102 = vector.broadcast %and3A_101 : i32 to vector<16xi32>
    %and3A_103 = arith.andi %get3A_100, %and3A_102 : vector<16xi32>
    %iota3A_104 = tpu.iota {dimensions = array<i32: 0>} : vector<16xi32>
    %add3A_105 = arith.constant 48 : i32
    %add3A_106 = vector.broadcast %add3A_105 : i32 to vector<16xi32>
    %add3A_107 = arith.addi %iota3A_104, %add3A_106 : vector<16xi32>
    %gather3A_108 = tpu.vector_load_idx %arg10[%add3A_107, %and3A_103] : memref<128x16xf32, #tpu.memory_space<vmem>>[vector<16xi32>, vector<16xi32>], vector<16xf32>,
    %swap3A_109 = arith.constant 48 : index
    %swap3A_110 = tpu.vector_load %arg11[%swap3A_109] {strides = array<i32>} : memref<128xf32, #tpu.memory_space<vmem>>, vector<16xf32>,
    tpu.vector_store %arg11[%swap3A_109], %gather3A_108 {strides = array<i32>} : memref<128xf32, #tpu.memory_space<vmem>>, vector<16xf32>,
    %get3A_111 = arith.constant 64 : index
    %get3A_112 = tpu.vector_load %arg7[%get3A_111] {strides = array<i32>} : memref<128xi32, #tpu.memory_space<vmem>>, vector<16xi32>,
    %and3A_113 = arith.constant 15 : i32
    %and3A_114 = vector.broadcast %and3A_113 : i32 to vector<16xi32>
    %and3A_115 = arith.andi %get3A_112, %and3A_114 : vector<16xi32>
    %iota3A_116 = tpu.iota {dimensions = array<i32: 0>} : vector<16xi32>
    %add3A_117 = arith.constant 64 : i32
    %add3A_118 = vector.broadcast %add3A_117 : i32 to vector<16xi32>
    %add3A_119 = arith.addi %iota3A_116, %add3A_118 : vector<16xi32>
    %gather3A_120 = tpu.vector_load_idx %arg10[%add3A_119, %and3A_115] : memref<128x16xf32, #tpu.memory_space<vmem>>[vector<16xi32>, vector<16xi32>], vector<16xf32>,
    %swap3A_121 = arith.constant 64 : index
    %swap3A_122 = tpu.vector_load %arg11[%swap3A_121] {strides = array<i32>} : memref<128xf32, #tpu.memory_space<vmem>>, vector<16xf32>,
    tpu.vector_store %arg11[%swap3A_121], %gather3A_120 {strides = array<i32>} : memref<128xf32, #tpu.memory_space<vmem>>, vector<16xf32>,
    %get3A_123 = arith.constant 80 : index
    %get3A_124 = tpu.vector_load %arg7[%get3A_123] {strides = array<i32>} : memref<128xi32, #tpu.memory_space<vmem>>, vector<16xi32>,
    %and3A_125 = arith.constant 15 : i32
    %and3A_126 = vector.broadcast %and3A_125 : i32 to vector<16xi32>
    %and3A_127 = arith.andi %get3A_124, %and3A_126 : vector<16xi32>
    %iota3A_128 = tpu.iota {dimensions = array<i32: 0>} : vector<16xi32>
    %add3A_129 = arith.constant 80 : i32
    %add3A_130 = vector.broadcast %add3A_129 : i32 to vector<16xi32>
    %add3A_131 = arith.addi %iota3A_128, %add3A_130 : vector<16xi32>
    %gather3A_132 = tpu.vector_load_idx %arg10[%add3A_131, %and3A_127] : memref<128x16xf32, #tpu.memory_space<vmem>>[vector<16xi32>, vector<16xi32>], vector<16xf32>,
    %swap3A_133 = arith.constant 80 : index
    %swap3A_134 = tpu.vector_load %arg11[%swap3A_133] {strides = array<i32>} : memref<128xf32, #tpu.memory_space<vmem>>, vector<16xf32>,
    tpu.vector_store %arg11[%swap3A_133], %gather3A_132 {strides = array<i32>} : memref<128xf32, #tpu.memory_space<vmem>>, vector<16xf32>,
    %get3A_135 = arith.constant 96 : index
    %get3A_136 = tpu.vector_load %arg7[%get3A_135] {strides = array<i32>} : memref<128xi32, #tpu.memory_space<vmem>>, vector<16xi32>,
    %and3A_137 = arith.constant 15 : i32
    %and3A_138 = vector.broadcast %and3A_137 : i32 to vector<16xi32>
    %and3A_139 = arith.andi %get3A_136, %and3A_138 : vector<16xi32>
    %iota3A_140 = tpu.iota {dimensions = array<i32: 0>} : vector<16xi32>
    %add3A_141 = arith.constant 96 : i32
    %add3A_142 = vector.broadcast %add3A_141 : i32 to vector<16xi32>
    %add3A_143 = arith.addi %iota3A_140, %add3A_142 : vector<16xi32>
    %gather3A_144 = tpu.vector_load_idx %arg10[%add3A_143, %and3A_139] : memref<128x16xf32, #tpu.memory_space<vmem>>[vector<16xi32>, vector<16xi32>], vector<16xf32>,
    %swap3A_145 = arith.constant 96 : index
    %swap3A_146 = tpu.vector_load %arg11[%swap3A_145] {strides = array<i32>} : memref<128xf32, #tpu.memory_space<vmem>>, vector<16xf32>,
    tpu.vector_store %arg11[%swap3A_145], %gather3A_144 {strides = array<i32>} : memref<128xf32, #tpu.memory_space<vmem>>, vector<16xf32>,
    %get3A_147 = arith.constant 112 : index
    %get3A_148 = tpu.vector_load %arg7[%get3A_147] {strides = array<i32>} : memref<128xi32, #tpu.memory_space<vmem>>, vector<16xi32>,
    %and3A_149 = arith.constant 15 : i32
    %and3A_150 = vector.broadcast %and3A_149 : i32 to vector<16xi32>
    %and3A_151 = arith.andi %get3A_148, %and3A_150 : vector<16xi32>
    %iota3A_152 = tpu.iota {dimensions = array<i32: 0>} : vector<16xi32>
    %add3A_153 = arith.constant 112 : i32
    %add3A_154 = vector.broadcast %add3A_153 : i32 to vector<16xi32>
    %add3A_155 = arith.addi %iota3A_152, %add3A_154 : vector<16xi32>
    %gather3A_156 = tpu.vector_load_idx %arg10[%add3A_155, %and3A_151] : memref<128x16xf32, #tpu.memory_space<vmem>>[vector<16xi32>, vector<16xi32>], vector<16xf32>,
    %swap3A_157 = arith.constant 112 : index
    %swap3A_158 = tpu.vector_load %arg11[%swap3A_157] {strides = array<i32>} : memref<128xf32, #tpu.memory_space<vmem>>, vector<16xf32>,
    tpu.vector_store %arg11[%swap3A_157], %gather3A_156 {strides = array<i32>} : memref<128xf32, #tpu.memory_space<vmem>>, vector<16xf32>,
    "tpu.region"() ({
      %run_scoped3A = tpu.sem_alloc : memref<!tpu.dma_semaphore, #tpu.memory_space<semaphore_mem>>
      %dma_start3A_159 = arith.constant 0 : i32
      %dma_start3A_160 = tpu.memref_slice %arg5[%mul3A_2, %dma_start3A_159] : memref<4096x64xf32, #tpu.memory_space<hbm>> -> memref<128x64xf32, #tpu.memory_space<hbm>>
      %dma_start3A_161 = arith.constant 0 : i32
      %dma_start3A_162 = tpu.memref_slice %arg5[%mul3A_2, %dma_start3A_161] : memref<4096x64xf32, #tpu.memory_space<hbm>> -> memref<128x64xf32, #tpu.memory_space<hbm>>
      tpu.enqueue_dma source(%arg9 : memref<128x64xf32, #tpu.memory_space<vmem>>) target(%dma_start3A_162 : memref<128x64xf32, #tpu.memory_space<hbm>>) target_semaphore(%run_scoped3A : memref<!tpu.dma_semaphore, #tpu.memory_space<semaphore_mem>>)
      %dma_wait3A_163 = arith.constant 0 : i32
      %dma_wait3A_164 = tpu.memref_slice %arg5[%mul3A_2, %dma_wait3A_163] : memref<4096x64xf32, #tpu.memory_space<hbm>> -> memref<128x64xf32, #tpu.memory_space<hbm>>
      %dma_wait3A_165 = arith.constant 0 : i32
      %dma_wait3A_166 = tpu.memref_slice %arg5[%mul3A_2, %dma_wait3A_165] : memref<4096x64xf32, #tpu.memory_space<hbm>> -> memref<128x64xf32, #tpu.memory_space<hbm>>
      tpu.wait_dma2 semaphore(%run_scoped3A : memref<!tpu.dma_semaphore, #tpu.memory_space<semaphore_mem>>) src(%arg9 : memref<128x64xf32, #tpu.memory_space<vmem>>) dst(%dma_wait3A_166 : memref<128x64xf32, #tpu.memory_space<hbm>>)
      tpu.yield
    }) : () -> ()
    "tpu.region"() ({
      %run_scoped3A = tpu.sem_alloc : memref<!tpu.dma_semaphore, #tpu.memory_space<semaphore_mem>>
      %dma_start3A_159 = tpu.memref_slice %arg6[%mul3A_2] : memref<4096xf32, #tpu.memory_space<hbm>> -> memref<128xf32, #tpu.memory_space<hbm>>
      %dma_start3A_160 = tpu.memref_slice %arg6[%mul3A_2] : memref<4096xf32, #tpu.memory_space<hbm>> -> memref<128xf32, #tpu.memory_space<hbm>>
      tpu.enqueue_dma source(%arg11 : memref<128xf32, #tpu.memory_space<vmem>>) target(%dma_start3A_160 : memref<128xf32, #tpu.memory_space<hbm>>) target_semaphore(%run_scoped3A : memref<!tpu.dma_semaphore, #tpu.memory_space<semaphore_mem>>)
      %dma_wait3A_161 = tpu.memref_slice %arg6[%mul3A_2] : memref<4096xf32, #tpu.memory_space<hbm>> -> memref<128xf32, #tpu.memory_space<hbm>>
      %dma_wait3A_162 = tpu.memref_slice %arg6[%mul3A_2] : memref<4096xf32, #tpu.memory_space<hbm>> -> memref<128xf32, #tpu.memory_space<hbm>>
      tpu.wait_dma2 semaphore(%run_scoped3A : memref<!tpu.dma_semaphore, #tpu.memory_space<semaphore_mem>>) src(%arg11 : memref<128xf32, #tpu.memory_space<vmem>>) dst(%dma_wait3A_162 : memref<128xf32, #tpu.memory_space<hbm>>)
      tpu.yield
    }) : () -> ()
    return
  }
}

module attributes {stable_mosaic.version = 14 : i64} {
  func.func @_topk_body(%arg0: i32, %arg1: memref<64x64xf32, #tpu.memory_space<vmem>>, %arg2: memref<4000x64xf32, #tpu.memory_space<vmem>>, %arg3: memref<64x64xf32, #tpu.memory_space<vmem>>, %arg4: memref<64x64xi32, #tpu.memory_space<vmem>>) attributes {dimension_semantics = [#tpu.dimension_semantics<arbitrary>], iteration_bounds = array<i64: 250>, scalar_prefetch = 0 : i64, scratch_operands = 0 : i64, tpu.core_type = #tpu.core_type<tc>, window_params = [{pipeline_mode = #tpu.pipeline_mode<synchronous>, transform_indices = @transform_0, window_bounds = array<i64: 64, 64>}, {transform_indices = @transform_1, window_bounds = array<i64: 4000, 64>}, {pipeline_mode = #tpu.pipeline_mode<synchronous>, transform_indices = @transform_2, window_bounds = array<i64: 64, 64>}, {pipeline_mode = #tpu.pipeline_mode<synchronous>, transform_indices = @transform_3, window_bounds = array<i64: 64, 64>}]} {
    %eq3A = arith.constant 0 : i32
    %eq3A_0 = arith.cmpi eq, %arg0, %eq3A : i32
    %convert_element_type3A = arith.extui %eq3A_0 : i1 to i32
    %cond3A = arith.constant 0 : i32
    %cond3A_1 = arith.cmpi ne, %convert_element_type3A, %cond3A : i32
    scf.if %cond3A_1 {
      %broadcast_in_dim3A_21 = arith.constant 0xFF800000 : f32
      %broadcast_in_dim3A_22 = vector.broadcast %broadcast_in_dim3A_21 : f32 to vector<64x64xf32>
      %swap3A_23 = arith.constant 0 : index
      %swap3A_24 = arith.constant 0 : index
      %swap3A_25 = vector.load %arg3[%swap3A_23, %swap3A_24] : memref<64x64xf32, #tpu.memory_space<vmem>>, vector<64x64xf32>
      tpu.vector_store %arg3[%swap3A_23, %swap3A_24], %broadcast_in_dim3A_22 {strides = array<i32>} : memref<64x64xf32, #tpu.memory_space<vmem>>, vector<64x64xf32>,
      %broadcast_in_dim3A_26 = arith.constant 0 : i32
      %broadcast_in_dim3A_27 = vector.broadcast %broadcast_in_dim3A_26 : i32 to vector<64x64xi32>
      %swap3A_28 = arith.constant 0 : index
      %swap3A_29 = arith.constant 0 : index
      %swap3A_30 = vector.load %arg4[%swap3A_28, %swap3A_29] : memref<64x64xi32, #tpu.memory_space<vmem>>, vector<64x64xi32>
      tpu.vector_store %arg4[%swap3A_28, %swap3A_29], %broadcast_in_dim3A_27 {strides = array<i32>} : memref<64x64xi32, #tpu.memory_space<vmem>>, vector<64x64xi32>,
    } else {
    }
    %get3A = arith.constant 0 : index
    %get3A_2 = arith.constant 0 : index
    %get3A_3 = vector.load %arg1[%get3A, %get3A_2] : memref<64x64xf32, #tpu.memory_space<vmem>>, vector<64x64xf32>
    %get3A_4 = arith.constant 0 : index
    %get3A_5 = arith.constant 0 : index
    %get3A_6 = vector.load %arg2[%get3A_4, %get3A_5] : memref<4000x64xf32, #tpu.memory_space<vmem>>, vector<4000x64xf32>
    %dot_general3A = arith.constant dense<0.000000e+00> : vector<64x4000xf32>
    %dot_general3A_7 = tpu.matmul %get3A_3, %get3A_6, %dot_general3A {dimension_numbers = #tpu.dot_dimension_numbers<[1], [1], [0], [0], [0, 0, 1, 0], [], []>, transpose_lhs_hint = false} : vector<64x64xf32>, vector<4000x64xf32>, vector<64x4000xf32> -> vector<64x4000xf32>
    %iota3A = tpu.iota {dimensions = array<i32: 1>} : vector<64x4000xi32>
    %iota3A_8 = tpu.iota {dimensions = array<i32: 1>} : vector<64x64xi32>
    %reduce_max3A = arith.constant dense<0xFF800000> : vector<64xf32>
    %reduce_max3A_9 = vector.multi_reduction <maximumf>, %dot_general3A_7, %reduce_max3A [1] : vector<64x4000xf32> to vector<64xf32>
    %broadcast_in_dim3A = vector.shape_cast %reduce_max3A_9 : vector<64xf32> to vector<64x1xf32>
    %get3A_10 = arith.constant 0 : index
    %get3A_11 = arith.constant 0 : index
    %get3A_12 = vector.load %arg3[%get3A_10, %get3A_11] : memref<64x64xf32, #tpu.memory_space<vmem>>, vector<64x64xf32>
    %get3A_13 = arith.constant 0 : index
    %get3A_14 = arith.constant 0 : index
    %get3A_15 = vector.load %arg4[%get3A_13, %get3A_14] : memref<64x64xi32, #tpu.memory_space<vmem>>, vector<64x64xi32>
    %while3A:4 = scf.while (%while3A_21 = %dot_general3A_7, %while3A_22 = %broadcast_in_dim3A, %while3A_23 = %get3A_12, %while3A_24 = %get3A_15) : (vector<64x4000xf32>, vector<64x1xf32>, vector<64x64xf32>, vector<64x64xi32>) -> (vector<64x4000xf32>, vector<64x1xf32>, vector<64x64xf32>, vector<64x64xi32>) {
      %reduce_min3A = arith.constant dense<0x7F800000> : vector<64xf32>
      %reduce_min3A_25 = vector.multi_reduction <minimumf>, %while3A_23, %reduce_min3A [1] : vector<64x64xf32> to vector<64xf32>
      %broadcast_in_dim3A_26 = vector.shape_cast %reduce_min3A_25 : vector<64xf32> to vector<64x1xf32>
      %gt3A = arith.cmpf ogt, %while3A_22, %broadcast_in_dim3A_26 : vector<64x1xf32>
      %reduce_or3A = arith.constant 1.000000e+00 : f32
      %reduce_or3A_27 = arith.constant 0.000000e+00 : f32
      %reduce_or3A_28 = vector.broadcast %reduce_or3A : f32 to vector<64x1xf32>
      %reduce_or3A_29 = vector.broadcast %reduce_or3A_27 : f32 to vector<64x1xf32>
      %reduce_or3A_30 = arith.select %gt3A, %reduce_or3A_28, %reduce_or3A_29 : vector<64x1xi1>, vector<64x1xf32>
      %reduce_or3A_31 = vector.shape_cast %reduce_or3A_30 : vector<64x1xf32> to vector<1x64x1xf32>
      %reduce_or3A_32 = arith.constant dense<0xFF800000> : vector<1xf32>
      %reduce_or3A_33 = vector.multi_reduction <maximumf>, %reduce_or3A_31, %reduce_or3A_32 [1, 2] : vector<1x64x1xf32> to vector<1xf32>
      %reduce_or3A_34 = vector.shape_cast %reduce_or3A_33 : vector<1xf32> to vector<1x1x1xf32>
      %reduce_or3A_35 = vector.extract %reduce_or3A_34[0, 0, 0] : f32 from vector<1x1x1xf32>
      %reduce_or3A_36 = arith.constant 0.000000e+00 : f32
      %reduce_or3A_37 = arith.cmpf ogt, %reduce_or3A_35, %reduce_or3A_36 : f32
      scf.condition(%reduce_or3A_37) %while3A_21, %while3A_22, %while3A_23, %while3A_24 : vector<64x4000xf32>, vector<64x1xf32>, vector<64x64xf32>, vector<64x64xi32>
    } do {
    ^bb0(%while3A_21: vector<64x4000xf32>, %while3A_22: vector<64x1xf32>, %while3A_23: vector<64x64xf32>, %while3A_24: vector<64x64xi32>):
      %argmax3A = tpu.reduce_index %while3A_21 {axis = 1 : i32, kind = #tpu.reduction_kind<arg_max>} : vector<64x4000xf32> -> vector<64xi32>
      %reshape3A = vector.shape_cast %argmax3A : vector<64xi32> to vector<64x1xi32>
      %reduce_min3A = arith.constant dense<0x7F800000> : vector<64xf32>
      %reduce_min3A_25 = vector.multi_reduction <minimumf>, %while3A_23, %reduce_min3A [1] : vector<64x64xf32> to vector<64xf32>
      %broadcast_in_dim3A_26 = vector.shape_cast %reduce_min3A_25 : vector<64xf32> to vector<64x1xf32>
      %argmin3A = tpu.reduce_index %while3A_23 {axis = 1 : i32, kind = #tpu.reduction_kind<arg_min>} : vector<64x64xf32> -> vector<64xi32>
      %reshape3A_27 = vector.shape_cast %argmin3A : vector<64xi32> to vector<64x1xi32>
      %eq3A_28 = vector.broadcast %reshape3A_27 : vector<64x1xi32> to vector<64x64xi32>
      %eq3A_29 = arith.cmpi eq, %iota3A_8, %eq3A_28 : vector<64x64xi32>
      %gt3A = arith.cmpf ogt, %while3A_22, %broadcast_in_dim3A_26 : vector<64x1xf32>
      %and3A = vector.broadcast %gt3A : vector<64x1xi1> to vector<64x64xi1>
      %and3A_30 = arith.andi %eq3A_29, %and3A : vector<64x64xi1>
      %broadcast_in_dim3A_31 = vector.shape_cast %while3A_22 : vector<64x1xf32> to vector<64x1xf32>
      %broadcast_in_dim3A_32 = vector.broadcast %broadcast_in_dim3A_31 : vector<64x1xf32> to vector<64x64xf32>
      %select_n3A = arith.select %and3A_30, %broadcast_in_dim3A_32, %while3A_23 : vector<64x64xi1>, vector<64x64xf32>
      %mul3A = arith.constant 4000 : i32
      %mul3A_33 = arith.muli %arg0, %mul3A : i32
      %add3A = vector.broadcast %mul3A_33 : i32 to vector<64x1xi32>
      %add3A_34 = arith.addi %add3A, %reshape3A : vector<64x1xi32>
      %broadcast_in_dim3A_35 = vector.shape_cast %add3A_34 : vector<64x1xi32> to vector<64x1xi32>
      %broadcast_in_dim3A_36 = vector.broadcast %broadcast_in_dim3A_35 : vector<64x1xi32> to vector<64x64xi32>
      %select_n3A_37 = arith.select %and3A_30, %broadcast_in_dim3A_36, %while3A_24 : vector<64x64xi1>, vector<64x64xi32>
      %eq3A_38 = vector.broadcast %reshape3A : vector<64x1xi32> to vector<64x4000xi32>
      %eq3A_39 = arith.cmpi eq, %iota3A, %eq3A_38 : vector<64x4000xi32>
      %jit3A = arith.constant 0xFF800000 : f32
      %broadcast_in_dim3A_40 = vector.broadcast %jit3A : f32 to vector<64x4000xf32>
      %select_n3A_41 = arith.select %eq3A_39, %broadcast_in_dim3A_40, %while3A_21 : vector<64x4000xi1>, vector<64x4000xf32>
      %reduce_max3A_42 = arith.constant dense<0xFF800000> : vector<64xf32>
      %reduce_max3A_43 = vector.multi_reduction <maximumf>, %select_n3A_41, %reduce_max3A_42 [1] : vector<64x4000xf32> to vector<64xf32>
      %broadcast_in_dim3A_44 = vector.shape_cast %reduce_max3A_43 : vector<64xf32> to vector<64x1xf32>
      scf.yield %select_n3A_41, %broadcast_in_dim3A_44, %select_n3A, %select_n3A_37 : vector<64x4000xf32>, vector<64x1xf32>, vector<64x64xf32>, vector<64x64xi32>
    }
    %swap3A = arith.constant 0 : index
    %swap3A_16 = arith.constant 0 : index
    %swap3A_17 = vector.load %arg3[%swap3A, %swap3A_16] : memref<64x64xf32, #tpu.memory_space<vmem>>, vector<64x64xf32>
    tpu.vector_store %arg3[%swap3A, %swap3A_16], %while3A#2 {strides = array<i32>} : memref<64x64xf32, #tpu.memory_space<vmem>>, vector<64x64xf32>,
    %swap3A_18 = arith.constant 0 : index
    %swap3A_19 = arith.constant 0 : index
    %swap3A_20 = vector.load %arg4[%swap3A_18, %swap3A_19] : memref<64x64xi32, #tpu.memory_space<vmem>>, vector<64x64xi32>
    tpu.vector_store %arg4[%swap3A_18, %swap3A_19], %while3A#3 {strides = array<i32>} : memref<64x64xi32, #tpu.memory_space<vmem>>, vector<64x64xi32>,
    return
  }
  func.func @transform_0(%arg0: i32) -> (i32, i32) {
    %c0_i32 = arith.constant 0 : i32
    %c0_i32_0 = arith.constant 0 : i32
    %c0_i32_1 = arith.constant 0 : i32
    return %c0_i32, %c0_i32_0 : i32, i32
  }
  func.func @transform_1(%arg0: i32) -> (i32, i32) {
    %c0_i32 = arith.constant 0 : i32
    %c0_i32_0 = arith.constant 0 : i32
    return %arg0, %c0_i32 : i32, i32
  }
  func.func @transform_2(%arg0: i32) -> (i32, i32) {
    %c0_i32 = arith.constant 0 : i32
    %c0_i32_0 = arith.constant 0 : i32
    %c0_i32_1 = arith.constant 0 : i32
    return %c0_i32, %c0_i32_0 : i32, i32
  }
  func.func @transform_3(%arg0: i32) -> (i32, i32) {
    %c0_i32 = arith.constant 0 : i32
    %c0_i32_0 = arith.constant 0 : i32
    %c0_i32_1 = arith.constant 0 : i32
    return %c0_i32, %c0_i32_0 : i32, i32
  }
}

module attributes {stable_mosaic.version = 14 : i64} {
  func.func @_head_body(%arg0: memref<4096x1xf32, #tpu.memory_space<vmem>>, %arg1: memref<4096x1xf32, #tpu.memory_space<vmem>>, %arg2: memref<4096x64xf32, #tpu.memory_space<vmem>>, %arg3: memref<66x130xf32, #tpu.memory_space<vmem>>, %arg4: memref<1x130xf32, #tpu.memory_space<vmem>>, %arg5: memref<1x130xf32, #tpu.memory_space<vmem>>, %arg6: memref<1x130xf32, #tpu.memory_space<vmem>>, %arg7: memref<1x66xf32, #tpu.memory_space<vmem>>, %arg8: memref<1x66xf32, #tpu.memory_space<vmem>>, %arg9: memref<66x66xf32, #tpu.memory_space<vmem>>, %arg10: memref<1x66xf32, #tpu.memory_space<vmem>>, %arg11: memref<66x66xf32, #tpu.memory_space<vmem>>, %arg12: memref<1x66xf32, #tpu.memory_space<vmem>>, %arg13: memref<66x66xf32, #tpu.memory_space<vmem>>, %arg14: memref<1x66xf32, #tpu.memory_space<vmem>>, %arg15: memref<66x64xf32, #tpu.memory_space<vmem>>, %arg16: memref<1x64xf32, #tpu.memory_space<vmem>>, %arg17: memref<64x64xf32, #tpu.memory_space<vmem>>, %arg18: memref<4096x130xf32, #tpu.memory_space<vmem>>, %arg19: memref<4096x66xf32, #tpu.memory_space<vmem>>) attributes {dimension_semantics = [], scalar_prefetch = 0 : i64, scratch_operands = 2 : i64, tpu.core_type = #tpu.core_type<tc>} {
    %get3A = arith.constant 0 : index
    %get3A_0 = arith.constant 0 : index
    %get3A_1 = vector.load %arg0[%get3A, %get3A_0] : memref<4096x1xf32, #tpu.memory_space<vmem>>, vector<4096x1xf32>
    %get3A_2 = arith.constant 0 : index
    %get3A_3 = arith.constant 0 : index
    %get3A_4 = vector.load %arg1[%get3A_2, %get3A_3] : memref<4096x1xf32, #tpu.memory_space<vmem>>, vector<4096x1xf32>
    %get3A_5 = arith.constant 0 : index
    %get3A_6 = arith.constant 0 : index
    %get3A_7 = vector.load %arg2[%get3A_5, %get3A_6] : memref<4096x64xf32, #tpu.memory_space<vmem>>, vector<4096x64xf32>
    %concatenate3A = tpu.concatenate %get3A_1, %get3A_4, %get3A_7 in 1 : vector<4096x1xf32>, vector<4096x1xf32>, vector<4096x64xf32> -> vector<4096x66xf32>
    %get3A_8 = arith.constant 0 : index
    %get3A_9 = arith.constant 0 : index
    %get3A_10 = vector.load %arg3[%get3A_8, %get3A_9] : memref<66x130xf32, #tpu.memory_space<vmem>>, vector<66x130xf32>
    %dot_general3A = arith.constant dense<0.000000e+00> : vector<4096x130xf32>
    %dot_general3A_11 = tpu.matmul %concatenate3A, %get3A_10, %dot_general3A {dimension_numbers = #tpu.dot_dimension_numbers<[1], [0], [0], [1], [0, 0, 1, 1], [], []>, transpose_lhs_hint = false} : vector<4096x66xf32>, vector<66x130xf32>, vector<4096x130xf32> -> vector<4096x130xf32>
    %get3A_12 = arith.constant 0 : index
    %get3A_13 = arith.constant 0 : index
    %get3A_14 = vector.load %arg4[%get3A_12, %get3A_13] : memref<1x130xf32, #tpu.memory_space<vmem>>, vector<1x130xf32>
    %add3A = vector.broadcast %get3A_14 : vector<1x130xf32> to vector<4096x130xf32>
    %add3A_15 = arith.addf %dot_general3A_11, %add3A : vector<4096x130xf32>
    %get3A_16 = arith.constant 0 : index
    %get3A_17 = arith.constant 0 : index
    %get3A_18 = vector.load %arg5[%get3A_16, %get3A_17] : memref<1x130xf32, #tpu.memory_space<vmem>>, vector<1x130xf32>
    %get3A_19 = arith.constant 0 : index
    %get3A_20 = arith.constant 0 : index
    %get3A_21 = vector.load %arg6[%get3A_19, %get3A_20] : memref<1x130xf32, #tpu.memory_space<vmem>>, vector<1x130xf32>
    %reduce_sum3A = arith.constant dense<0.000000e+00> : vector<4096xf32>
    %reduce_sum3A_22 = vector.multi_reduction <add>, %add3A_15, %reduce_sum3A [1] : vector<4096x130xf32> to vector<4096xf32>
    %broadcast_in_dim3A = vector.shape_cast %reduce_sum3A_22 : vector<4096xf32> to vector<4096x1xf32>
    %div3A = arith.constant 1.300000e+02 : f32
    %div3A_23 = vector.broadcast %div3A : f32 to vector<4096x1xf32>
    %div3A_24 = arith.divf %broadcast_in_dim3A, %div3A_23 : vector<4096x1xf32>
    %sub3A = vector.broadcast %div3A_24 : vector<4096x1xf32> to vector<4096x130xf32>
    %sub3A_25 = arith.subf %add3A_15, %sub3A : vector<4096x130xf32>
    %mul3A = arith.mulf %sub3A_25, %sub3A_25 : vector<4096x130xf32>
    %reduce_sum3A_26 = arith.constant dense<0.000000e+00> : vector<4096xf32>
    %reduce_sum3A_27 = vector.multi_reduction <add>, %mul3A, %reduce_sum3A_26 [1] : vector<4096x130xf32> to vector<4096xf32>
    %broadcast_in_dim3A_28 = vector.shape_cast %reduce_sum3A_27 : vector<4096xf32> to vector<4096x1xf32>
    %div3A_29 = arith.constant 1.300000e+02 : f32
    %div3A_30 = vector.broadcast %div3A_29 : f32 to vector<4096x1xf32>
    %div3A_31 = arith.divf %broadcast_in_dim3A_28, %div3A_30 : vector<4096x1xf32>
    %add3A_32 = arith.constant 9.99999974E-6 : f32
    %add3A_33 = vector.broadcast %add3A_32 : f32 to vector<4096x1xf32>
    %add3A_34 = arith.addf %div3A_31, %add3A_33 : vector<4096x1xf32>
    %sqrt3A = math.sqrt %add3A_34 : vector<4096x1xf32>
    %div3A_35 = vector.broadcast %sqrt3A : vector<4096x1xf32> to vector<4096x130xf32>
    %div3A_36 = arith.divf %sub3A_25, %div3A_35 : vector<4096x130xf32>
    %mul3A_37 = vector.broadcast %get3A_18 : vector<1x130xf32> to vector<4096x130xf32>
    %mul3A_38 = arith.mulf %div3A_36, %mul3A_37 : vector<4096x130xf32>
    %add3A_39 = vector.broadcast %get3A_21 : vector<1x130xf32> to vector<4096x130xf32>
    %add3A_40 = arith.addf %mul3A_38, %add3A_39 : vector<4096x130xf32>
    %swap3A = arith.constant 0 : index
    %swap3A_41 = arith.constant 0 : index
    %swap3A_42 = vector.load %arg18[%swap3A, %swap3A_41] : memref<4096x130xf32, #tpu.memory_space<vmem>>, vector<4096x130xf32>
    tpu.vector_store %arg18[%swap3A, %swap3A_41], %add3A_40 {strides = array<i32>} : memref<4096x130xf32, #tpu.memory_space<vmem>>, vector<4096x130xf32>,
    %scan3A = arith.constant 0 : i32
    %scan3A_43 = arith.constant 64 : i32
    %scan3A_44 = arith.addi %scan3A, %scan3A_43 : i32
    %scan3A_45 = arith.constant 1 : i32
    scf.for %scan3A_189 = %scan3A to %scan3A_44 step %scan3A_45  : i32 {
      %mul3A_190 = arith.constant 64 : i32
      %mul3A_191 = arith.muli %scan3A_189, %mul3A_190 : i32
      %get3A_192 = arith.index_cast %mul3A_191 : i32 to index
      %get3A_193 = arith.constant 0 : index
      %get3A_194 = vector.load %arg18[%get3A_192, %get3A_193] : memref<4096x130xf32, #tpu.memory_space<vmem>>, vector<64x130xf32>
      %slice3A = vector.extract_strided_slice %get3A_194 {offsets = [0, 0], sizes = [64, 32], strides = [1, 1]} : vector<64x130xf32> to vector<64x32xf32>
      %mul3A_195 = arith.constant 0.176776692 : f32
      %mul3A_196 = vector.broadcast %mul3A_195 : f32 to vector<64x32xf32>
      %mul3A_197 = arith.mulf %slice3A, %mul3A_196 : vector<64x32xf32>
      %slice3A_198 = vector.extract_strided_slice %get3A_194 {offsets = [0, 32], sizes = [64, 32], strides = [1, 1]} : vector<64x130xf32> to vector<64x32xf32>
      %slice3A_199 = vector.extract_strided_slice %get3A_194 {offsets = [0, 64], sizes = [64, 66], strides = [1, 1]} : vector<64x130xf32> to vector<64x66xf32>
      %transpose3A = tpu.transpose %slice3A_198, [1, 0] : vector<64x32xf32> -> vector<32x64xf32>
      %dot_general3A_200 = arith.constant dense<0.000000e+00> : vector<64x64xf32>
      %dot_general3A_201 = tpu.matmul %mul3A_197, %transpose3A, %dot_general3A_200 {dimension_numbers = #tpu.dot_dimension_numbers<[1], [0], [0], [1], [0, 0, 1, 1], [], []>, transpose_lhs_hint = false} : vector<64x32xf32>, vector<32x64xf32>, vector<64x64xf32> -> vector<64x64xf32>
      %reduce_max3A = arith.constant dense<0xFF800000> : vector<64xf32>
      %reduce_max3A_202 = vector.multi_reduction <maximumf>, %dot_general3A_201, %reduce_max3A [1] : vector<64x64xf32> to vector<64xf32>
      %broadcast_in_dim3A_203 = vector.shape_cast %reduce_max3A_202 : vector<64xf32> to vector<64x1xf32>
      %sub3A_204 = vector.broadcast %broadcast_in_dim3A_203 : vector<64x1xf32> to vector<64x64xf32>
      %sub3A_205 = arith.subf %dot_general3A_201, %sub3A_204 : vector<64x64xf32>
      %exp3A = math.exp %sub3A_205 : vector<64x64xf32>
      %reduce_sum3A_206 = arith.constant dense<0.000000e+00> : vector<64xf32>
      %reduce_sum3A_207 = vector.multi_reduction <add>, %exp3A, %reduce_sum3A_206 [1] : vector<64x64xf32> to vector<64xf32>
      %broadcast_in_dim3A_208 = vector.shape_cast %reduce_sum3A_207 : vector<64xf32> to vector<64x1xf32>
      %div3A_209 = vector.broadcast %broadcast_in_dim3A_208 : vector<64x1xf32> to vector<64x64xf32>
      %div3A_210 = arith.divf %exp3A, %div3A_209 : vector<64x64xf32>
      %dot_general3A_211 = arith.constant dense<0.000000e+00> : vector<64x66xf32>
      %dot_general3A_212 = tpu.matmul %div3A_210, %slice3A_199, %dot_general3A_211 {dimension_numbers = #tpu.dot_dimension_numbers<[1], [0], [0], [1], [0, 0, 1, 1], [], []>, transpose_lhs_hint = false} : vector<64x64xf32>, vector<64x66xf32>, vector<64x66xf32> -> vector<64x66xf32>
      %mul3A_213 = arith.constant 64 : i32
      %mul3A_214 = arith.muli %scan3A_189, %mul3A_213 : i32
      %swap3A_215 = arith.index_cast %mul3A_214 : i32 to index
      %swap3A_216 = arith.constant 0 : index
      %swap3A_217 = vector.load %arg19[%swap3A_215, %swap3A_216] : memref<4096x66xf32, #tpu.memory_space<vmem>>, vector<64x66xf32>
      tpu.vector_store %arg19[%swap3A_215, %swap3A_216], %dot_general3A_212 {strides = array<i32>} : memref<4096x66xf32, #tpu.memory_space<vmem>>, vector<64x66xf32>,
    }
    %scan3A_46 = arith.constant 64 : i32
    %get3A_47 = arith.constant 0 : index
    %get3A_48 = arith.constant 0 : index
    %get3A_49 = vector.load %arg7[%get3A_47, %get3A_48] : memref<1x66xf32, #tpu.memory_space<vmem>>, vector<1x66xf32>
    %get3A_50 = arith.constant 0 : index
    %get3A_51 = arith.constant 0 : index
    %get3A_52 = vector.load %arg8[%get3A_50, %get3A_51] : memref<1x66xf32, #tpu.memory_space<vmem>>, vector<1x66xf32>
    %get3A_53 = arith.constant 0 : index
    %get3A_54 = arith.constant 0 : index
    %get3A_55 = vector.load %arg19[%get3A_53, %get3A_54] : memref<4096x66xf32, #tpu.memory_space<vmem>>, vector<4096x66xf32>
    %add3A_56 = arith.addf %concatenate3A, %get3A_55 : vector<4096x66xf32>
    %reduce_sum3A_57 = arith.constant dense<0.000000e+00> : vector<4096xf32>
    %reduce_sum3A_58 = vector.multi_reduction <add>, %add3A_56, %reduce_sum3A_57 [1] : vector<4096x66xf32> to vector<4096xf32>
    %broadcast_in_dim3A_59 = vector.shape_cast %reduce_sum3A_58 : vector<4096xf32> to vector<4096x1xf32>
    %div3A_60 = arith.constant 6.600000e+01 : f32
    %div3A_61 = vector.broadcast %div3A_60 : f32 to vector<4096x1xf32>
    %div3A_62 = arith.divf %broadcast_in_dim3A_59, %div3A_61 : vector<4096x1xf32>
    %sub3A_63 = vector.broadcast %div3A_62 : vector<4096x1xf32> to vector<4096x66xf32>
    %sub3A_64 = arith.subf %add3A_56, %sub3A_63 : vector<4096x66xf32>
    %mul3A_65 = arith.mulf %sub3A_64, %sub3A_64 : vector<4096x66xf32>
    %reduce_sum3A_66 = arith.constant dense<0.000000e+00> : vector<4096xf32>
    %reduce_sum3A_67 = vector.multi_reduction <add>, %mul3A_65, %reduce_sum3A_66 [1] : vector<4096x66xf32> to vector<4096xf32>
    %broadcast_in_dim3A_68 = vector.shape_cast %reduce_sum3A_67 : vector<4096xf32> to vector<4096x1xf32>
    %div3A_69 = arith.constant 6.600000e+01 : f32
    %div3A_70 = vector.broadcast %div3A_69 : f32 to vector<4096x1xf32>
    %div3A_71 = arith.divf %broadcast_in_dim3A_68, %div3A_70 : vector<4096x1xf32>
    %add3A_72 = arith.constant 9.99999974E-6 : f32
    %add3A_73 = vector.broadcast %add3A_72 : f32 to vector<4096x1xf32>
    %add3A_74 = arith.addf %div3A_71, %add3A_73 : vector<4096x1xf32>
    %sqrt3A_75 = math.sqrt %add3A_74 : vector<4096x1xf32>
    %div3A_76 = vector.broadcast %sqrt3A_75 : vector<4096x1xf32> to vector<4096x66xf32>
    %div3A_77 = arith.divf %sub3A_64, %div3A_76 : vector<4096x66xf32>
    %mul3A_78 = vector.broadcast %get3A_49 : vector<1x66xf32> to vector<4096x66xf32>
    %mul3A_79 = arith.mulf %div3A_77, %mul3A_78 : vector<4096x66xf32>
    %add3A_80 = vector.broadcast %get3A_52 : vector<1x66xf32> to vector<4096x66xf32>
    %add3A_81 = arith.addf %mul3A_79, %add3A_80 : vector<4096x66xf32>
    %get3A_82 = arith.constant 0 : index
    %get3A_83 = arith.constant 0 : index
    %get3A_84 = vector.load %arg9[%get3A_82, %get3A_83] : memref<66x66xf32, #tpu.memory_space<vmem>>, vector<66x66xf32>
    %dot_general3A_85 = arith.constant dense<0.000000e+00> : vector<4096x66xf32>
    %dot_general3A_86 = tpu.matmul %add3A_81, %get3A_84, %dot_general3A_85 {dimension_numbers = #tpu.dot_dimension_numbers<[1], [0], [0], [1], [0, 0, 1, 1], [], []>, transpose_lhs_hint = false} : vector<4096x66xf32>, vector<66x66xf32>, vector<4096x66xf32> -> vector<4096x66xf32>
    %get3A_87 = arith.constant 0 : index
    %get3A_88 = arith.constant 0 : index
    %get3A_89 = vector.load %arg10[%get3A_87, %get3A_88] : memref<1x66xf32, #tpu.memory_space<vmem>>, vector<1x66xf32>
    %add3A_90 = vector.broadcast %get3A_89 : vector<1x66xf32> to vector<4096x66xf32>
    %add3A_91 = arith.addf %dot_general3A_86, %add3A_90 : vector<4096x66xf32>
    %max3A = arith.constant 0.000000e+00 : f32
    %max3A_92 = vector.broadcast %max3A : f32 to vector<4096x66xf32>
    %max3A_93 = arith.maximumf %add3A_91, %max3A_92 : vector<4096x66xf32>
    %get3A_94 = arith.constant 0 : index
    %get3A_95 = arith.constant 0 : index
    %get3A_96 = vector.load %arg11[%get3A_94, %get3A_95] : memref<66x66xf32, #tpu.memory_space<vmem>>, vector<66x66xf32>
    %dot_general3A_97 = arith.constant dense<0.000000e+00> : vector<4096x66xf32>
    %dot_general3A_98 = tpu.matmul %max3A_93, %get3A_96, %dot_general3A_97 {dimension_numbers = #tpu.dot_dimension_numbers<[1], [0], [0], [1], [0, 0, 1, 1], [], []>, transpose_lhs_hint = false} : vector<4096x66xf32>, vector<66x66xf32>, vector<4096x66xf32> -> vector<4096x66xf32>
    %get3A_99 = arith.constant 0 : index
    %get3A_100 = arith.constant 0 : index
    %get3A_101 = vector.load %arg12[%get3A_99, %get3A_100] : memref<1x66xf32, #tpu.memory_space<vmem>>, vector<1x66xf32>
    %add3A_102 = vector.broadcast %get3A_101 : vector<1x66xf32> to vector<4096x66xf32>
    %add3A_103 = arith.addf %dot_general3A_98, %add3A_102 : vector<4096x66xf32>
    %add3A_104 = arith.addf %add3A_103, %add3A_81 : vector<4096x66xf32>
    %reduce_sum3A_105 = arith.constant dense<0.000000e+00> : vector<4096xf32>
    %reduce_sum3A_106 = vector.multi_reduction <add>, %add3A_104, %reduce_sum3A_105 [1] : vector<4096x66xf32> to vector<4096xf32>
    %broadcast_in_dim3A_107 = vector.shape_cast %reduce_sum3A_106 : vector<4096xf32> to vector<4096x1xf32>
    %div3A_108 = arith.constant 6.600000e+01 : f32
    %div3A_109 = vector.broadcast %div3A_108 : f32 to vector<4096x1xf32>
    %div3A_110 = arith.divf %broadcast_in_dim3A_107, %div3A_109 : vector<4096x1xf32>
    %sub3A_111 = vector.broadcast %div3A_110 : vector<4096x1xf32> to vector<4096x66xf32>
    %sub3A_112 = arith.subf %add3A_104, %sub3A_111 : vector<4096x66xf32>
    %mul3A_113 = arith.mulf %sub3A_112, %sub3A_112 : vector<4096x66xf32>
    %reduce_sum3A_114 = arith.constant dense<0.000000e+00> : vector<4096xf32>
    %reduce_sum3A_115 = vector.multi_reduction <add>, %mul3A_113, %reduce_sum3A_114 [1] : vector<4096x66xf32> to vector<4096xf32>
    %broadcast_in_dim3A_116 = vector.shape_cast %reduce_sum3A_115 : vector<4096xf32> to vector<4096x1xf32>
    %div3A_117 = arith.constant 6.600000e+01 : f32
    %div3A_118 = vector.broadcast %div3A_117 : f32 to vector<4096x1xf32>
    %div3A_119 = arith.divf %broadcast_in_dim3A_116, %div3A_118 : vector<4096x1xf32>
    %add3A_120 = arith.constant 9.99999974E-6 : f32
    %add3A_121 = vector.broadcast %add3A_120 : f32 to vector<4096x1xf32>
    %add3A_122 = arith.addf %div3A_119, %add3A_121 : vector<4096x1xf32>
    %sqrt3A_123 = math.sqrt %add3A_122 : vector<4096x1xf32>
    %div3A_124 = vector.broadcast %sqrt3A_123 : vector<4096x1xf32> to vector<4096x66xf32>
    %div3A_125 = arith.divf %sub3A_112, %div3A_124 : vector<4096x66xf32>
    %mul3A_126 = vector.broadcast %get3A_49 : vector<1x66xf32> to vector<4096x66xf32>
    %mul3A_127 = arith.mulf %div3A_125, %mul3A_126 : vector<4096x66xf32>
    %add3A_128 = vector.broadcast %get3A_52 : vector<1x66xf32> to vector<4096x66xf32>
    %add3A_129 = arith.addf %mul3A_127, %add3A_128 : vector<4096x66xf32>
    %iota3A = tpu.iota {dimensions = array<i32: 1>} : vector<64x4096xi32>
    %iota3A_130 = tpu.iota {dimensions = array<i32: 0>} : vector<64x4096xi32>
    %jit3A = arith.constant 64 : i32
    %div3A_131 = vector.broadcast %jit3A : i32 to vector<64x4096xi32>
    %div3A_132 = arith.divsi %iota3A, %div3A_131 : vector<64x4096xi32>
    %sign3A = arith.constant 0 : i32
    %sign3A_133 = vector.broadcast %sign3A : i32 to vector<64x4096xi32>
    %sign3A_134 = arith.cmpi sgt, %iota3A, %sign3A_133 : vector<64x4096xi32>
    %sign3A_135 = arith.extui %sign3A_134 : vector<64x4096xi1> to vector<64x4096xi32>
    %sign3A_136 = arith.constant 0 : i32
    %sign3A_137 = vector.broadcast %sign3A_136 : i32 to vector<64x4096xi32>
    %sign3A_138 = arith.cmpi slt, %iota3A, %sign3A_137 : vector<64x4096xi32>
    %sign3A_139 = arith.extui %sign3A_138 : vector<64x4096xi1> to vector<64x4096xi32>
    %sign3A_140 = arith.subi %sign3A_135, %sign3A_139 : vector<64x4096xi32>
    %sign3A_141 = arith.constant 0 : i32
    %sign3A_142 = arith.cmpi sgt, %jit3A, %sign3A_141 : i32
    %sign3A_143 = arith.extui %sign3A_142 : i1 to i32
    %sign3A_144 = arith.constant 0 : i32
    %sign3A_145 = arith.cmpi slt, %jit3A, %sign3A_144 : i32
    %sign3A_146 = arith.extui %sign3A_145 : i1 to i32
    %sign3A_147 = arith.subi %sign3A_143, %sign3A_146 : i32
    %ne3A = vector.broadcast %sign3A_147 : i32 to vector<64x4096xi32>
    %ne3A_148 = arith.cmpi ne, %sign3A_140, %ne3A : vector<64x4096xi32>
    %rem3A = vector.broadcast %jit3A : i32 to vector<64x4096xi32>
    %rem3A_149 = arith.remsi %iota3A, %rem3A : vector<64x4096xi32>
    %ne3A_150 = arith.constant 0 : i32
    %ne3A_151 = vector.broadcast %ne3A_150 : i32 to vector<64x4096xi32>
    %ne3A_152 = arith.cmpi ne, %rem3A_149, %ne3A_151 : vector<64x4096xi32>
    %and3A = arith.andi %ne3A_148, %ne3A_152 : vector<64x4096xi1>
    %sub3A_153 = arith.constant 1 : i32
    %sub3A_154 = vector.broadcast %sub3A_153 : i32 to vector<64x4096xi32>
    %sub3A_155 = arith.subi %div3A_132, %sub3A_154 : vector<64x4096xi32>
    %select_n3A = arith.select %and3A, %sub3A_155, %div3A_132 : vector<64x4096xi1>, vector<64x4096xi32>
    %eq3A = arith.cmpi eq, %select_n3A, %iota3A_130 : vector<64x4096xi32>
    %jit3A_156 = arith.constant 1.562500e-02 : f32
    %jit3A_157 = arith.constant 0.000000e+00 : f32
    %broadcast_in_dim3A_158 = vector.broadcast %jit3A_156 : f32 to vector<64x4096xf32>
    %broadcast_in_dim3A_159 = vector.broadcast %jit3A_157 : f32 to vector<64x4096xf32>
    %select_n3A_160 = arith.select %eq3A, %broadcast_in_dim3A_158, %broadcast_in_dim3A_159 : vector<64x4096xi1>, vector<64x4096xf32>
    %dot_general3A_161 = arith.constant dense<0.000000e+00> : vector<64x66xf32>
    %dot_general3A_162 = tpu.matmul %select_n3A_160, %add3A_129, %dot_general3A_161 {dimension_numbers = #tpu.dot_dimension_numbers<[1], [0], [0], [1], [0, 0, 1, 1], [], []>, transpose_lhs_hint = false} : vector<64x4096xf32>, vector<4096x66xf32>, vector<64x66xf32> -> vector<64x66xf32>
    %get3A_163 = arith.constant 0 : index
    %get3A_164 = arith.constant 0 : index
    %get3A_165 = vector.load %arg13[%get3A_163, %get3A_164] : memref<66x66xf32, #tpu.memory_space<vmem>>, vector<66x66xf32>
    %dot_general3A_166 = arith.constant dense<0.000000e+00> : vector<64x66xf32>
    %dot_general3A_167 = tpu.matmul %dot_general3A_162, %get3A_165, %dot_general3A_166 {dimension_numbers = #tpu.dot_dimension_numbers<[1], [0], [0], [1], [0, 0, 1, 1], [], []>, transpose_lhs_hint = false} : vector<64x66xf32>, vector<66x66xf32>, vector<64x66xf32> -> vector<64x66xf32>
    %get3A_168 = arith.constant 0 : index
    %get3A_169 = arith.constant 0 : index
    %get3A_170 = vector.load %arg14[%get3A_168, %get3A_169] : memref<1x66xf32, #tpu.memory_space<vmem>>, vector<1x66xf32>
    %add3A_171 = vector.broadcast %get3A_170 : vector<1x66xf32> to vector<64x66xf32>
    %add3A_172 = arith.addf %dot_general3A_167, %add3A_171 : vector<64x66xf32>
    %max3A_173 = arith.constant 0.000000e+00 : f32
    %max3A_174 = vector.broadcast %max3A_173 : f32 to vector<64x66xf32>
    %max3A_175 = arith.maximumf %add3A_172, %max3A_174 : vector<64x66xf32>
    %get3A_176 = arith.constant 0 : index
    %get3A_177 = arith.constant 0 : index
    %get3A_178 = vector.load %arg15[%get3A_176, %get3A_177] : memref<66x64xf32, #tpu.memory_space<vmem>>, vector<66x64xf32>
    %dot_general3A_179 = arith.constant dense<0.000000e+00> : vector<64x64xf32>
    %dot_general3A_180 = tpu.matmul %max3A_175, %get3A_178, %dot_general3A_179 {dimension_numbers = #tpu.dot_dimension_numbers<[1], [0], [0], [1], [0, 0, 1, 1], [], []>, transpose_lhs_hint = false} : vector<64x66xf32>, vector<66x64xf32>, vector<64x64xf32> -> vector<64x64xf32>
    %get3A_181 = arith.constant 0 : index
    %get3A_182 = arith.constant 0 : index
    %get3A_183 = vector.load %arg16[%get3A_181, %get3A_182] : memref<1x64xf32, #tpu.memory_space<vmem>>, vector<1x64xf32>
    %add3A_184 = vector.broadcast %get3A_183 : vector<1x64xf32> to vector<64x64xf32>
    %add3A_185 = arith.addf %dot_general3A_180, %add3A_184 : vector<64x64xf32>
    %swap3A_186 = arith.constant 0 : index
    %swap3A_187 = arith.constant 0 : index
    %swap3A_188 = vector.load %arg17[%swap3A_186, %swap3A_187] : memref<64x64xf32, #tpu.memory_space<vmem>>, vector<64x64xf32>
    tpu.vector_store %arg17[%swap3A_186, %swap3A_187], %add3A_185 {strides = array<i32>} : memref<64x64xf32, #tpu.memory_space<vmem>>, vector<64x64xf32>,
    return
  }
}

</mosaic_0001>

<sc_bundles>
// kernel: kernel.5.cloned.1.call-start
scs
__scs_entry_jumppad:
0x0: {  	(pc) =	sbr.rel $0x88, $3  }
0x1: {  	(tag) =	ssettag $0x0;
	lr =	simm.s32 $0x1  }
0x2: {  	[smem:$0x3F8F] =	sst lr;
	_ =	strace $0xD0000000  }
0x3: {  	_ = 	snop  }
0x4: {  	_ = 	snop  }
0x5: {  	_ = 	snop  }
0x6: {  	_ = 	snop  }
0x7: {  	_ = 	snop  }
__scs_overlays_trampoline_lowered:
0x8: {  	[smem:$0x3F9E] =	sst s0  }
0x9: {  	[smem:$0x3F9F] =	sst s1  }
0xa: {  	[smem:$0x3FA0] =	sst s2  }
0xb: {  	[smem:$0x3FA1] =	sst s3  }
0xc: {  	[smem:$0x3FA2] =	sst s4  }
0xd: {  	[smem:$0x3FA3] =	sst s5  }
0xe: {  	[smem:$0x3FA4] =	sst s6  }
0xf: {  	[smem:$0x3FA5] =	sst s7  }
0x10: {  	[smem:$0x3FA6] =	sst s8  }
0x11: {  	[smem:$0x3FA7] =	sst s9;
	s0 =	simm.s32 @!p0 $0x0  }
0x12: {  	s1 =	sld [smem:$0x3F8D];
	s0 =	simm.s32 @p0 $0x1  }
0x13: {  	[smem:$0x3FA8] =	sst s0;
	s0 =	simm.s32 @!p1 $0x0  }
0x14: {  	s2 =	sld [smem:$0x3F8C];
	s0 =	simm.s32 @p1 $0x1  }
0x15: {  	[smem:$0x3FA9] =	sst s0;
	s0 =	simm.s32 @!p2 $0x0  }
0x16: {  	s3 =	sld [smem:$0x3FDB];
	s0 =	simm.s32 @p2 $0x1  }
0x17: {  	s4 =	simm.s32 $0x1BF5;
	[smem:$0x3FAB] =	sst s0  }
0x18: {  	s0 =	sld [smem:$0x3F8E];
	_ =	swait.ge [sflag:s4], $0x0  }
0x19: {  	s7 =	sld [smem:$0x3F8F]  }
0x1a: {  	s8 =	sadd.s32 $0xFFFFE003, lr  }
0x1b: {  	s9 =	sadd.s32 $0xFFFFFEF7, lr;
	s5 =	simm.s32 $0xFFFFFFFF;
	p2 =	slt.u32 s8, $0xFFFFF086  }
0x1c: {  	p1 =	slt.u32 s9, $0xF7A;
	s5 =	simm.s32 @!p2 $0x0  }
0x1d: {  	s5 =	simm.s32 @p1 $0x1;
	p0 =	seq.s32 s7, s2  }
0x1e: {  	s7 =	smul.u32 @!p0 $0xF7A, s2;
	p2 =	seq.s32 @!p0 s5, $0x0  }
0x1f: {  	s9 =	smul.u32 $0xF7A, s1;
	s8 =	simm.s32 @!p0 $0x1BF5;
	p2 =	por !p2, p0  }
0x20: {  	[sflag:s8] =	ssyncset.s32 @!p0 $0xFFFFF086;
	s6 =	sadd.s32 @!p0 s3, s7;
	s7 =	simm.s32 @!p0 $0x108  }
0x21: {  	s3 =	sadd.s32 s3, s9;
	s6 =	sadd.s32 @!p0 $0x88, s6;
	s7 =	simm.s32 @p2 $0x1082  }
0x22: {  	[simem:s7], [sflag:s8] =	dma.local @!p0 [hbm:s6], $0xF7A  }
0x23: {  	s9 =	sor.u32 $0xD0000000, s2;
	s6 =	simm.s32 $0x108;
	_ =	swait.ge @!p0 [sflag:s8], $0x0  }
0x24: {  	s3 =	sadd.s32 $0x88, s3;
	s6 =	simm.s32 @!p1 $0x1082;
	[sflag:s4] =	ssyncset.s32 $0xFFFFF086  }
0x25: {  	[simem:s6], [sflag:s4] =	dma.local [hbm:s3], $0xF7A  }
0x26: {  	[smem:$0x3F8F] =	sst s1;
	(tag) =	ssettag s2;
	_ =	strace s9  }
0x27: {  	s1 =	sld [smem:$0x3F9F]  }
0x28: {  	s2 =	sld [smem:$0x3FA0]  }
0x29: {  	s4 =	sld [smem:$0x3FA2]  }
0x2a: {  	p0 =	seq.s32 s5, $0x0;
	s5 =	sld [smem:$0x3FA3]  }
0x2b: {  	s6 =	sld [smem:$0x3FA4]  }
0x2c: {  	s7 =	sld [smem:$0x3FA5]  }
0x2d: {  	s3 =	simm.s32 $0x108;
	s8 =	sld [smem:$0x3FA6]  }
0x2e: {  	s3 =	simm.s32 @!p0 $0x1082;
	s9 =	sld [smem:$0x3FA7]  }
0x2f: {  	lr =	sadd.s32 s0, s3;
	s0 =	sld [smem:$0x3F9E]  }
0x30: {  	s3 =	sld [smem:$0x3FA1]  }
0x31: {  	[smem:$0x3FAA] =	sst s10  }
0x32: {  	s10 =	sld [smem:$0x3FA8];
	_ =	sdelay $0x3  }
0x33: {  	p0 =	seq.s32 s10, $0x1;
	s10 =	sld [smem:$0x3FAA];
	_ =	sdelay $0x3  }
0x34: {  	[smem:$0x3FAA] =	sst s10  }
0x35: {  	s10 =	sld [smem:$0x3FA9];
	_ =	sdelay $0x3  }
0x36: {  	p1 =	seq.s32 s10, $0x1;
	s10 =	sld [smem:$0x3FAA];
	_ =	sdelay $0x3  }
0x37: {  	[smem:$0x3FAA] =	sst s10  }
0x38: {  	s10 =	sld [smem:$0x3FAB]  }
0x39: {  	_ = 	snop;
	(pc) =	sbr.ind lr, $3  }
0x3a: {  	_ = 	snop  }
0x3b: {  	_ = 	snop  }
0x3c: {  	p2 =	seq.s32 s10, $0x1;
	s10 =	sld [smem:$0x3FAA]  }
0x3d: {  	_ =	shalt  }
0x3e: {  	_ =	shalt  }
0x3f: {  	_ =	shalt  }
0x40: {  	_ =	shalt  }
0x41: {  	_ =	shalt  }
0x42: {  	_ =	shalt  }
0x43: {  	_ =	shalt  }
0x44: {  	_ =	shalt  }
0x45: {  	_ =	shalt  }
0x46: {  	_ =	shalt  }
0x47: {  	_ =	shalt  }
0x48: {  	_ =	shalt  }
0x49: {  	_ =	shalt  }
0x4a: {  	_ =	shalt  }
0x4b: {  	_ =	shalt  }
0x4c: {  	_ =	shalt  }
0x4d: {  	_ =	shalt  }
0x4e: {  	_ =	shalt  }
0x4f: {  	_ =	shalt  }
0x50: {  	_ =	shalt  }
0x51: {  	_ =	shalt  }
0x52: {  	_ =	shalt  }
0x53: {  	_ =	shalt  }
0x54: {  	_ =	shalt  }
0x55: {  	_ =	shalt  }
0x56: {  	_ =	shalt  }
0x57: {  	_ =	shalt  }
0x58: {  	_ =	shalt  }
0x59: {  	_ =	shalt  }
0x5a: {  	_ =	shalt  }
0x5b: {  	_ =	shalt  }
0x5c: {  	_ =	shalt  }
0x5d: {  	_ =	shalt  }
0x5e: {  	_ =	shalt  }
0x5f: {  	_ =	shalt  }
0x60: {  	_ =	shalt  }
0x61: {  	_ =	shalt  }
0x62: {  	_ =	shalt  }
0x63: {  	_ =	shalt  }
0x64: {  	_ =	shalt  }
0x65: {  	_ =	shalt  }
0x66: {  	_ =	shalt  }
0x67: {  	_ =	shalt  }
0x68: {  	_ =	shalt  }
0x69: {  	_ =	shalt  }
0x6a: {  	_ =	shalt  }
0x6b: {  	_ =	shalt  }
0x6c: {  	_ =	shalt  }
0x6d: {  	_ =	shalt  }
0x6e: {  	_ =	shalt  }
0x6f: {  	_ =	shalt  }
0x70: {  	_ =	shalt  }
0x71: {  	_ =	shalt  }
0x72: {  	_ =	shalt  }
0x73: {  	_ =	shalt  }
0x74: {  	_ =	shalt  }
0x75: {  	_ =	shalt  }
0x76: {  	_ =	shalt  }
0x77: {  	_ =	shalt  }
0x78: {  	_ =	shalt  }
0x79: {  	_ =	shalt  }
0x7a: {  	_ =	shalt  }
0x7b: {  	_ =	shalt  }
0x7c: {  	_ =	shalt  }
0x7d: {  	_ =	shalt  }
0x7e: {  	_ =	shalt  }
0x7f: {  	_ =	shalt  }
0x80: {  	_ =	shalt  }
0x81: {  	_ =	shalt  }
0x82: {  	_ =	shalt  }
0x83: {  	_ =	shalt  }
0x84: {  	_ =	shalt  }
0x85: {  	_ =	shalt  }
0x86: {  	_ =	shalt  }
0x87: {  	_ =	shalt  }
.Lfunc_end0:
.L_simem_size_0:
called_computation_lowered:
.L_overlay_start_0:
0x88: {  	s2 =	sld [smem:$0x3FD9]  }
0x89: {  	s3 =	sld [smem:$0x3FFE];
	_ =	sdelay $0x1  }
0x8a: {  	s1 =	srdreg.scid  }
0x8b: {  	s0 =	sand.u32 $0x1, s1  }
0x8c: {  	s16 =	sshll.u32 s0, $0xA;
	s2 =	sadd.s32 s3, s2  }
0x8d: {  	s2 =	sadd.s32 s2, s16  }
0x8e: {  	[smem:$0x3FB6] =	sst s2  }
0x8f: {  	_ = 	snop  }
0x90: {  	(tm) =	ssettm $0x1  }
0x91: {  	s17 =	sld [smem:$0x3FFB];
	_ =	sdelay $0x3  }
0x92: {  	_ =	strace s17  }
0x93: {  	s2 =	sld [smem:$0x3FFC];
	_ =	sdelay $0x3  }
0x94: {  	_ =	strace s2  }
0x95: {  	s2 =	sld [smem:$0x3FFD];
	_ =	sdelay $0x3  }
0x96: {  	_ =	strace s2  }
0x97: {  	_ =	strace $0x8FFFFFFF  }
0x98: {  	s18 =	sld [smem:$0x3FDB];
	_ =	sdelay $0x1  }
0x99: {  	s19 =	simm.s32 $_scs_section_size  }
0x9a: {  	s4 =	simm.s32 $_size__tile_overlayer_lowered;
	s5 =	simm.s32 $_tile_overlayer_lowered  }
0x9b: {  	s22 =	simm.s32 $0x1BFF;
	s21 =	sshll.u32 s5, $0x1;
	s2 =	sadd.s32 s19, s18  }
0x9c: {  	s6 =	simm.s32 $0x0;
	s20 =	sshll.u32 s4, $0x1;
	s4 =	sadd.s32 s21, s2  }
0x9d: {  	[timem:s6], [sflag:s22] =	dma.local [hbm:s4], s20  }
0x9e: {  	_ =	swait.ge [sflag:s22], s20  }
0x9f: {  	s3 =	ssub.s32 $0x0, s20;
	[sflag:s22] =	ssyncset.done $0x0  }
0xa0: {  	[sflag:s22] =	ssyncadd.s32 s3;
	_ =	sdelay $0x1  }
0xa1: {  	s23 =	simm.s32 $0x1B8B  }
0xa2: {  	_ =	swait.ge [sflag:s23], $0x1  }
0xa3: {  	[sflag:s23] =	ssyncset.done $0x0  }
0xa4: {  	s25 =	simm.s32 $0x1B8E;
	s24 =	sld [smem:$0x3FFE];
	[sflag:s23] =	ssyncadd.s32 $0xFFFFFFFF  }
0xa5: {  	s26 =	simm.s32 $execute0_lowered;
	[smem:$0x3FD2] =	sst s25  }
0xa6: {  	s4 =	sshll.u32 s26, $0x1;
	_ =	strace $0x80000046;
	[dreg:$0x1] =	wrdreg $0xFFFFFFFF  }
0xa7: {  	s28 =	simm.s32 $_size_execute0_lowered;
	s2 =	sadd.s32 s2, s4;
	[dreg:$0x0] =	wrdreg $0x0  }
0xa8: {  	s4 =	sshll.u32 s28, $0x1;
	[dreg:$0x2] =	wrdreg s2  }
0xa9: {  	[dreg:$0x3] =	wrdreg s4  }
0xaa: {  	[dreg:$0x4] =	wrdreg $0xC0  }
0xab: {  	_ =	task [dreg:s6], $0x5FFFF  }
0xac: {  	[dreg:$0x1] =	wrdreg $0xFFFFFFFF  }
0xad: {  	[dreg:$0x0] =	wrdreg $0x60  }
0xae: {  	[dreg:$0x2] =	wrdreg s24  }
0xaf: {  	[dreg:$0x3] =	wrdreg $0x9  }
0xb0: {  	_ =	task.clear_ibuf [dreg:s6], $0x4FFFF;
	_ =	strace $0x90000046  }
0xb1: {  	s29 =	simm.s32 $0x9;
	_ =	strace $0x80000048  }
0xb2: {  	_ =	swait.ge [sflag:s29], $0x1  }
0xb3: {  	[sflag:s29] =	ssyncadd.s32 $0xFFFFFFFF  }
0xb4: {  	_ =	strace $0x90000048  }
0xb5: {  	_ =	sfence  }
0xb6: {  	s30 =	sld [smem:$0x0];
	_ =	sdelay $0x2  }
0xb7: {  	s31 =	sshll.u32 s1, $0xD;
	s1 =	sshrl.u32 s1, $0x2  }
0xb8: {  	s3 =	sand.u32 $0x4000, s31;
	s1 =	sadd.s32 s1, s30  }
0xb9: {  	s0 =	sor.u32 s3, s0;
	s1 =	sshll.u32 s1, $0x11  }
0xba: {  	s0 =	sor.u32 s1, s0  }
0xbb: {  	s0 =	sadd.s32 $0x8F2B, s0  }
0xbc: {  	[sflag:s0] =	ssyncadd.remote.s32 $0x1  }
0xbd: {  	_ =	sfence.sel $0xFFFF  }
0xbe: {  	[dreg:$0x0] =	wrdreg $0xFFFFFFFF;
	(pc) =	sbr.abs _section_cstart, $3  }
0xbf: {  	[dreg:$0x1] =	wrdreg $0xFFFFFFFF  }
0xc0: {  	_ =	task.clear_ibuf [dreg:s6], $0x2FFFF;
	_ =	strace $0x9FFFFFFF  }
0xc1: {  	(tm) =	ssettm $0x7FFFFFFF  }
tec
execute0_lowered:
.L_overlay_start_1:
0x0: {  	(tag) =	ssettag $0x1  }
0x1: {  	s1 =	srdreg.scid  }
0x2: {  	s0 =	stileid.u32;
	s12 =	sand.u32 $0x1, s1  }
0x3: {  	s31 =	sshll.u32 s0, $0x8;
	s2 =	sshll.u32 s12, $0x7  }
0x4: {  	s11 =	rddreg [dreg:$0x0];
	s13 =	sor.u32 s2, s31  }
0x5: {  	s1 =	rddreg [dreg:$0x1];
	s2 =	simm.s32 $0x0;
	s3 =	sshrl.u32 s13, $0x3  }
0x6: {  	[smem:$0x7FF] =	sst s2;
	s14 =	sadd.s32 s3, s11  }
0x7: {  	_ =	strace $0x80000047;
	s3 =	simm.s32 $0x2;
	s4 =	sadd.s32 $0x2A00, s14  }
0x8: {  	[tilespmem:s2], [sflag:$0x2] =	stream.linear.gather [hbm4b:s4+s2], $0x80, $0x38;
	[tilespmem:$0x2980] =	vst v63  }
0x9: {  	_ =	swait.ge [sflag:s3], $0x80  }
0xa: {  	[sflag:s3] =	ssyncset.done $0x0  }
0xb: {  	[sflag:s3] =	ssyncadd.s32 $0xFFFFFF80  }
0xc: {  	v0 =	vld [tilespmem:$0x70]  }
0xd: {  	v1 =	vld [tilespmem:$0x60]  }
0xe: {  	v2 =	vld [tilespmem:$0x50]  }
0xf: {  	v3 =	vld [tilespmem:$0x40]  }
0x10: {  	v4 =	vld [tilespmem:$0x30]  }
0x11: {  	v5 =	vld [tilespmem:$0x20];
	v0 =	vshrl.u32 v0, $0x4  }
0x12: {  	v6 =	vld [tilespmem:$0x10];
	v1 =	vshrl.u32 v1, $0x4;
	[tilespmem:$0xF0] =	vst v0  }
0x13: {  	v2 =	vshrl.u32 v2, $0x4;
	v0 =	vld [tilespmem:$0x0];
	[tilespmem:$0xE0] =	vst v1  }
0x14: {  	v1 =	vshrl.u32 v3, $0x4;
	[tilespmem:$0xD0] =	vst v2  }
0x15: {  	v2 =	vshrl.u32 v4, $0x4;
	[tilespmem:$0xC0] =	vst v1  }
0x16: {  	v1 =	vshrl.u32 v5, $0x4;
	[tilespmem:$0xB0] =	vst v2  }
0x17: {  	v2 =	vshrl.u32 v6, $0x4;
	[tilespmem:$0xA0] =	vst v1  }
0x18: {  	s7 =	simm.s32 $0x80;
	[tilespmem:$0x90] =	vst v2;
	v0 =	vshrl.u32 v0, $0x4  }
0x19: {  	s6 =	simm.s32 $0x100;
	s8 =	simm.s32 $0x1;
	s5 =	sadd.s32 $0xF45000, s11;
	[tilespmem:$0x80] =	vst v0  }
0x1a: {  	[tilespmem:s6], [sflag:$0x1] =	stream.indirect.gather [hbm4b:s5+s7], $0x40, s2, s7, $0xb8;
	[tilespmem:$0x2980] =	vst v63  }
0x1b: {  	_ =	swait.ge [sflag:s8], $0x2000  }
0x1c: {  	[sflag:s8] =	ssyncset.done $0x0  }
0x1d: {  	s10 =	simm.s32 $0x2100;
	s9 =	sadd.s32 $0x2C00, s11;
	[sflag:s8] =	ssyncadd.s32 $0xFFFFE000  }
0x1e: {  	[tilespmem:s10], [sflag:$0x1] =	stream.indirect.gather [hbm4b:s9+s7], $0x10, s7, s7, $0xb8;
	[tilespmem:$0x2980] =	vst v63  }
0x1f: {  	_ =	swait.ge [sflag:s8], $0x800  }
0x20: {  	[sflag:s8] =	ssyncset.done $0x0  }
0x21: {  	[sflag:s8] =	ssyncadd.s32 $0xFFFFF800  }
0x22: {  	v1 =	vld [tilespmem:$0x0];
	_ =	sdelay $0x2  }
0x23: {  	v0 =	vlaneseq.u32  }
0x24: {  	v0 =	vmul.u32 $0x10, v0  }
0x25: {  	v1 =	vand.u32 $0xF, v1  }
0x26: {  	v2 =	vld [tilespmem:$0x10];
	v3 =	vor.u32 v0, v1;
	_ =	sdelay $0x4  }
0x27: {  	v2 =	vand.u32 $0xF, v2;
	v1 =	vor.u32 $0x100, v0;
	v3 =	vld.idx.msk [tilespmem:v3+s10+$0x0], $0xffff  }
0x28: {  	v4 =	vld [tilespmem:$0x20];
	v5 =	vor.u32 v1, v2;
	_ =	sdelay $0x3  }
0x29: {  	[tilespmem:$0x2900] =	vst v3  }
0x2a: {  	v2 =	vor.u32 $0x200, v0;
	v3 =	vand.u32 $0xF, v4;
	v4 =	vld.idx.msk [tilespmem:v5+s10+$0x0], $0xffff  }
0x2b: {  	v5 =	vld [tilespmem:$0x30];
	v6 =	vor.u32 v2, v3;
	_ =	sdelay $0x3  }
0x2c: {  	[tilespmem:$0x2910] =	vst v4  }
0x2d: {  	v3 =	vor.u32 $0x300, v0;
	v4 =	vand.u32 $0xF, v5;
	v5 =	vld.idx.msk [tilespmem:v6+s10+$0x0], $0xffff  }
0x2e: {  	v6 =	vld [tilespmem:$0x40];
	v7 =	vor.u32 v3, v4;
	_ =	sdelay $0x3  }
0x2f: {  	[tilespmem:$0x2920] =	vst v5  }
0x30: {  	v4 =	vor.u32 $0x400, v0;
	v5 =	vand.u32 $0xF, v6;
	v6 =	vld.idx.msk [tilespmem:v7+s10+$0x0], $0xffff  }
0x31: {  	v7 =	vld [tilespmem:$0x50];
	v8 =	vor.u32 v4, v5;
	_ =	sdelay $0x3  }
0x32: {  	[tilespmem:$0x2930] =	vst v6  }
0x33: {  	v5 =	vor.u32 $0x500, v0;
	v6 =	vand.u32 $0xF, v7;
	v7 =	vld.idx.msk [tilespmem:v8+s10+$0x0], $0xffff  }
0x34: {  	v8 =	vld [tilespmem:$0x60];
	v9 =	vor.u32 v5, v6;
	_ =	sdelay $0x3  }
0x35: {  	[tilespmem:$0x2940] =	vst v7  }
0x36: {  	v6 =	vor.u32 $0x600, v0;
	v7 =	vand.u32 $0xF, v8;
	v8 =	vld.idx.msk [tilespmem:v9+s10+$0x0], $0xffff  }
0x37: {  	v62 =	vld [tilespmem:$0x70];
	v10 =	vor.u32 v6, v7;
	_ =	sdelay $0x3  }
0x38: {  	[tilespmem:$0x2950] =	vst v8  }
0x39: {  	v7 =	vor.u32 $0x700, v0;
	v8 =	vand.u32 $0xF, v62;
	v63 =	vld.idx.msk [tilespmem:v10+s10+$0x0], $0xffff  }
0x3a: {  	v8 =	vor.u32 v7, v8  }
0x3b: {  	s12 =	ssub.s32 $0x2, s12  }
0x3c: {  	s15 =	sshrl.u32 s12, $0x1  }
0x3d: {  	s12 =	ssub.s32 s12, s15  }
0x3e: {  	s15 =	smax.u32 s12, $0x1;
	[tilespmem:$0x2960] =	vst v63  }
0x3f: {  	p0 =	sne.s32 s15, $0x1;
	v8 =	vld.idx.msk [tilespmem:v8+s10+$0x0], $0xffff  }
.Ltmp0:
0x40: {  	_ = 	snop;
	(pc) =	sbr.rel @!p0 .LBB2_2-.Ltmp0, $4  }
0x41: {  	_ = 	snop  }
0x42: {  	s13 =	sshll.u32 s13, $0x3  }
0x43: {  	s11 =	sadd.s32 s13, s11;
	s12 =	simm.s32 $0x2900  }
0x44: {  	s13 =	sadd.s32 $0x21800, s11;
	s11 =	sadd.s32 $0x21600, s14;
	s14 =	sadd.s32 $0xFFFFFFFF, s15;
	[tilespmem:$0x2970] =	vst v8  }
.LBB2_1:
0x45: {  	[hbm4b:s13+s2] =	stream.linear.scatter [tilespmem:s6], [sflag:$0x2], $0x2000, $0x38;
	[tilespmem:$0x2980] =	vst v63  }
0x46: {  	p0 =	sne.s32 s14, $0x1;
	s14 =	sadd.s32 $0xFFFFFFFF, s14;
	_ =	swait.ge [sflag:s3], $0x2000  }
0x47: {  	[sflag:s3] =	ssyncset.done $0x0  }
0x48: {  	[sflag:s3] =	ssyncadd.s32 $0xFFFFE000  }
0x49: {  	[hbm4b:s11+s2] =	stream.linear.scatter [tilespmem:s12], [sflag:$0x2], $0x80, $0x38;
	[tilespmem:$0x2980] =	vst v63  }
0x4a: {  	_ =	swait.ge [sflag:s3], $0x80  }
0x4b: {  	[sflag:s3] =	ssyncset.done $0x0  }
0x4c: {  	[sflag:s3] =	ssyncadd.s32 $0xFFFFFF80  }
0x4d: {  	[tilespmem:s2], [sflag:$0x2] =	stream.linear.gather [hbm4b:s4+s2], $0x80, $0x38;
	[tilespmem:$0x2980] =	vst v63  }
0x4e: {  	_ =	swait.ge [sflag:s3], $0x80  }
0x4f: {  	[sflag:s3] =	ssyncset.done $0x0  }
0x50: {  	[sflag:s3] =	ssyncadd.s32 $0xFFFFFF80  }
0x51: {  	v8 =	vld [tilespmem:$0x70]  }
0x52: {  	v9 =	vld [tilespmem:$0x60]  }
0x53: {  	v10 =	vld [tilespmem:$0x50]  }
0x54: {  	v11 =	vld [tilespmem:$0x40]  }
0x55: {  	v12 =	vld [tilespmem:$0x30]  }
0x56: {  	v13 =	vld [tilespmem:$0x20];
	v8 =	vshrl.u32 v8, $0x4  }
0x57: {  	v14 =	vld [tilespmem:$0x10];
	v9 =	vshrl.u32 v9, $0x4;
	[tilespmem:$0xF0] =	vst v8  }
0x58: {  	v8 =	vld [tilespmem:$0x0];
	v10 =	vshrl.u32 v10, $0x4;
	[tilespmem:$0xE0] =	vst v9  }
0x59: {  	v9 =	vshrl.u32 v11, $0x4;
	[tilespmem:$0xD0] =	vst v10  }
0x5a: {  	v10 =	vshrl.u32 v12, $0x4;
	[tilespmem:$0xC0] =	vst v9  }
0x5b: {  	v9 =	vshrl.u32 v13, $0x4;
	[tilespmem:$0xB0] =	vst v10  }
0x5c: {  	v10 =	vshrl.u32 v14, $0x4;
	[tilespmem:$0xA0] =	vst v9  }
0x5d: {  	v8 =	vshrl.u32 v8, $0x4;
	[tilespmem:$0x90] =	vst v10  }
0x5e: {  	[tilespmem:$0x80] =	vst v8  }
0x5f: {  	[tilespmem:s6], [sflag:$0x1] =	stream.indirect.gather [hbm4b:s5+s7], $0x40, s2, s7, $0xb8;
	[tilespmem:$0x2980] =	vst v63  }
0x60: {  	_ =	swait.ge [sflag:s8], $0x2000  }
0x61: {  	[sflag:s8] =	ssyncset.done $0x0  }
0x62: {  	[sflag:s8] =	ssyncadd.s32 $0xFFFFE000  }
0x63: {  	[tilespmem:s10], [sflag:$0x1] =	stream.indirect.gather [hbm4b:s9+s7], $0x10, s7, s7, $0xb8;
	[tilespmem:$0x2980] =	vst v63  }
0x64: {  	_ =	swait.ge [sflag:s8], $0x800  }
0x65: {  	[sflag:s8] =	ssyncset.done $0x0  }
0x66: {  	[sflag:s8] =	ssyncadd.s32 $0xFFFFF800  }
0x67: {  	v8 =	vld [tilespmem:$0x0]  }
0x68: {  	v9 =	vld [tilespmem:$0x10]  }
0x69: {  	v10 =	vld [tilespmem:$0x20]  }
0x6a: {  	v11 =	vld [tilespmem:$0x30]  }
0x6b: {  	v12 =	vld [tilespmem:$0x40]  }
0x6c: {  	v8 =	vand.u32 $0xF, v8;
	v13 =	vld [tilespmem:$0x50]  }
0x6d: {  	v8 =	vor.u32 v0, v8;
	v9 =	vand.u32 $0xF, v9;
	v14 =	vld [tilespmem:$0x60]  }
0x6e: {  	v10 =	vand.u32 $0xF, v10;
	v15 =	vld [tilespmem:$0x70]  }
0x6f: {  	v11 =	vand.u32 $0xF, v11  }
0x70: {  	v12 =	vand.u32 $0xF, v12  }
0x71: {  	v13 =	vand.u32 $0xF, v13  }
0x72: {  	v8 =	vld.idx.msk [tilespmem:v8+s10+$0x0], $0xffff;
	v14 =	vand.u32 $0xF, v14  }
0x73: {  	v15 =	vand.u32 $0xF, v15  }
0x74: {  	v9 =	vor.u32 v1, v9;
	_ =	sdelay $0x3  }
0x75: {  	[tilespmem:$0x2900] =	vst v8  }
0x76: {  	v8 =	vld.idx.msk [tilespmem:v9+s10+$0x0], $0xffff;
	_ =	sdelay $0x1  }
0x77: {  	v9 =	vor.u32 v2, v10;
	_ =	sdelay $0x3  }
0x78: {  	[tilespmem:$0x2910] =	vst v8  }
0x79: {  	v8 =	vld.idx.msk [tilespmem:v9+s10+$0x0], $0xffff;
	_ =	sdelay $0x1  }
0x7a: {  	v9 =	vor.u32 v3, v11;
	_ =	sdelay $0x3  }
0x7b: {  	[tilespmem:$0x2920] =	vst v8  }
0x7c: {  	v8 =	vld.idx.msk [tilespmem:v9+s10+$0x0], $0xffff;
	_ =	sdelay $0x1  }
0x7d: {  	v9 =	vor.u32 v4, v12;
	_ =	sdelay $0x3  }
0x7e: {  	[tilespmem:$0x2930] =	vst v8  }
0x7f: {  	v8 =	vld.idx.msk [tilespmem:v9+s10+$0x0], $0xffff;
	_ =	sdelay $0x1  }
0x80: {  	v9 =	vor.u32 v5, v13;
	_ =	sdelay $0x3  }
0x81: {  	[tilespmem:$0x2940] =	vst v8  }
0x82: {  	v8 =	vld.idx.msk [tilespmem:v9+s10+$0x0], $0xffff;
	_ =	sdelay $0x1  }
0x83: {  	v9 =	vor.u32 v6, v14;
	_ =	sdelay $0x3  }
0x84: {  	[tilespmem:$0x2950] =	vst v8  }
0x85: {  	v8 =	vld.idx.msk [tilespmem:v9+s10+$0x0], $0xffff;
	_ =	sdelay $0x1  }
0x86: {  	v9 =	vor.u32 v7, v15;
	_ =	sdelay $0x3  }
0x87: {  	[tilespmem:$0x2960] =	vst v8  }
0x88: {  	v8 =	vld.idx.msk [tilespmem:v9+s10+$0x0], $0xffff;
	_ =	sdelay $0x1  }
.Ltmp1:
0x89: {  	(pc) =	sbr.rel @p0 .LBB2_1-.Ltmp1, $2  }
0x8a: {  	_ =	sdelay $0x2  }
0x8b: {  	[tilespmem:$0x2970] =	vst v8  }
.LBB2_2:
0x8c: {  	[hbm4b:s13+s2] =	stream.linear.scatter [tilespmem:s6], [sflag:$0x2], $0x2000, $0x38;
	[tilespmem:$0x2980] =	vst v63  }
0x8d: {  	_ =	swait.ge [sflag:s3], $0x2000  }
0x8e: {  	[sflag:s3] =	ssyncset.done $0x0  }
0x8f: {  	[sflag:s3] =	ssyncadd.s32 $0xFFFFE000  }
0x90: {  	[hbm4b:s11+s2] =	stream.linear.scatter [tilespmem:s12], [sflag:$0x2], $0x80, $0x38;
	[tilespmem:$0x2980] =	vst v63  }
0x91: {  	_ =	swait.ge [sflag:s3], $0x80  }
0x92: {  	[sflag:s3] =	ssyncset.done $0x0  }
0x93: {  	[sflag:s3] =	ssyncadd.s32 $0xFFFFFF80  }
0x94: {  	_ =	sfence.sel $0x180000  }
0x95: {  	[bflag:$0x0] =	sbarrier.arrive $0xFFFF  }
0x96: {  	p0 =	sne.s32 s0, $0x0;
	_ =	strace $0x90000047  }
0x97: {  	s0 =	sadd.s32 @!p0 $0x100000, s1;
	[bflag:$0x2] =	sbarrier.arrive $0xFFFF  }
0x98: {  	[sflag:s0] =	ssyncadd.tile.s32 @!p0 $0x1;
	_ =	shalt  }
.Lfunc_end2:
_tile_overlayer_lowered:
.L_overlay_start_2:
0x99: {  	(tag) =	ssettag $0x2  }
0x9a: {  	s0 =	rddreg [dreg:$0x0];
	s2 =	stileid.u32  }
0x9b: {  	s1 =	rddreg [dreg:$0x1];
	p0 =	sne.s32 s2, $0x0  }
0x9c: {  	s3 =	rddreg [dreg:$0x2];
	[bflag:$0x3] =	sbarrier.arrive $0xFFFF;
	s2 =	simm.s32 @!p0 $0x1C02  }
0x9d: {  	[timem:s3], [sflag:s2] =	dma.local @!p0 [hbm:s0], s1  }
0x9e: {  	s0 =	simm.s32 @!p0 $0x2  }
0x9f: {  	_ =	swait.ge @!p0 [sflag:s0], s1  }
0xa0: {  	s1 =	ssub.s32 @!p0 $0x0, s1;
	[sflag:s0] =	ssyncset.done @!p0 $0x0  }
0xa1: {  	[sflag:s0] =	ssyncadd.s32 @!p0 s1  }
0xa2: {  	[bflag:$0x3] =	sbarrier.arrive $0xFFFF  }
0xa3: {  	_ =	shalt  }

</sc_bundles>
